<compile_context>
chip_gen: v7x
topology: tpu7x:2x2x1
jax: 0.10.2.dev20260603
libtpu: 0.0.44.dev20260713+nightly
codegen_flags: <defaults>
</compile_context>

<pallas_src>
import functools

import jax
import jax.numpy as jnp
from jax import lax
from jax.experimental import pallas as pl
from jax.experimental.pallas import tpu as pltpu
from jax.experimental.pallas import tpu_sc as plsc


def _encoder_body(x_ref, w1_ref, b1_ref, w2_ref, b2_ref, w3_ref, b3_ref,
                  qi_ref):
    x = x_ref[...]
    h = jnp.maximum(
        jnp.dot(x, w1_ref[...], preferred_element_type=jnp.float32)
        + b1_ref[...], 0.0)
    h = jnp.maximum(
        jnp.dot(h, w2_ref[...], preferred_element_type=jnp.float32)
        + b2_ref[...], 0.0)
    qi_ref[...] = (
        jnp.dot(h, w3_ref[...], preferred_element_type=jnp.float32)
        + b3_ref[...])


def _encoder_call(x, w1, b1, w2, b2, w3, b3, tb=512):
    bsz, d = x.shape
    h = w1.shape[1]
    l = w3.shape[1]
    grid = (bsz // tb,)
    return pl.pallas_call(
        _encoder_body,
        grid=grid,
        in_specs=[
            pl.BlockSpec((tb, d), lambda i: (i, 0)),
            pl.BlockSpec((d, h), lambda i: (0, 0)),
            pl.BlockSpec((1, h), lambda i: (0, 0)),
            pl.BlockSpec((h, h), lambda i: (0, 0)),
            pl.BlockSpec((1, h), lambda i: (0, 0)),
            pl.BlockSpec((h, l), lambda i: (0, 0)),
            pl.BlockSpec((1, l), lambda i: (0, 0)),
        ],
        out_specs=pl.BlockSpec((tb, l), lambda i: (i, 0)),
        out_shape=jax.ShapeDtypeStruct((bsz, l), jnp.float32),
    )(x, w1, b1, w2, b2, w3, b3)


def _argmin_body(qi_ref, emb_ref, idx_ref, dmin_ref, *, kc):
    q = qi_ref[...]
    tb = q.shape[0]
    k = emb_ref.shape[0]
    qsq = jnp.sum(q * q, axis=1, keepdims=True)
    best = jnp.full((tb, 1), jnp.inf, dtype=jnp.float32)
    besti = jnp.zeros((tb, 1), dtype=jnp.int32)
    for c in range(k // kc):
        e = emb_ref[c * kc:(c + 1) * kc, :]
        esq = jnp.sum(e * e, axis=1)
        mm = lax.dot_general(
            q, e, dimension_numbers=(((1,), (1,)), ((), ())),
            preferred_element_type=jnp.float32)
        d2 = (qsq - 2.0 * mm) + esq[None, :]
        dist = jnp.sqrt(jnp.maximum(d2, 0.0))
        cmin = jnp.min(dist, axis=1, keepdims=True)
        iot = lax.broadcasted_iota(jnp.int32, (tb, kc), 1)
        cidx = jnp.min(jnp.where(dist == cmin, iot, jnp.int32(k)),
                       axis=1, keepdims=True) + c * kc
        upd = cmin < best
        besti = jnp.where(upd, cidx, besti)
        best = jnp.where(upd, cmin, best)
    idx_ref[...] = besti
    dmin_ref[...] = best


def _argmin_call(qi, emb, tb=512, kc=1024):
    bsz, l = qi.shape
    k = emb.shape[0]
    grid = (bsz // tb,)
    return pl.pallas_call(
        functools.partial(_argmin_body, kc=kc),
        grid=grid,
        in_specs=[
            pl.BlockSpec((tb, l), lambda i: (i, 0)),
            pl.BlockSpec((k, l), lambda i: (0, 0)),
        ],
        out_specs=[
            pl.BlockSpec((tb, 1), lambda i: (i, 0)),
            pl.BlockSpec((tb, 1), lambda i: (i, 0)),
        ],
        out_shape=[
            jax.ShapeDtypeStruct((bsz, 1), jnp.int32),
            jax.ShapeDtypeStruct((bsz, 1), jnp.float32),
        ],
    )(qi, emb)


def _onehot_body(idx_ref, oh_ref, cnt_ref):
    bb = pl.program_id(1)
    kb = pl.program_id(0)
    tbo, kco = oh_ref.shape
    idxcol = idx_ref[...]
    iot = lax.broadcasted_iota(jnp.int32, (tbo, kco), 1) + kb * kco
    oh = jnp.where(iot == idxcol, 1.0, 0.0).astype(jnp.float32)
    oh_ref[...] = oh

    @pl.when(bb == 0)
    def _():
        cnt_ref[...] = jnp.zeros_like(cnt_ref)

    cnt_ref[...] += jnp.sum(oh, axis=0, keepdims=True)


def _onehot_call(idx, k, tbo=512, kco=4096):
    bsz = idx.shape[0]
    grid = (k // kco, bsz // tbo)
    return pl.pallas_call(
        _onehot_body,
        grid=grid,
        in_specs=[pl.BlockSpec((tbo, 1), lambda kb, bb: (bb, 0))],
        out_specs=[
            pl.BlockSpec((tbo, kco), lambda kb, bb: (bb, kb)),
            pl.BlockSpec((1, kco), lambda kb, bb: (0, kb)),
        ],
        out_shape=[
            jax.ShapeDtypeStruct((bsz, k), jnp.float32),
            jax.ShapeDtypeStruct((1, k), jnp.float32),
        ],
    )(idx)


def _dectable_body(emb_ref, w4_ref, b4_ref, w5_ref, b5_ref, dec_ref):
    t = jnp.maximum(
        jnp.dot(emb_ref[...], w4_ref[...],
                preferred_element_type=jnp.float32) + b4_ref[...], 0.0)
    dec_ref[...] = (
        jnp.dot(t, w5_ref[...], preferred_element_type=jnp.float32)
        + b5_ref[...])


def _dectable_call(emb, w4, b4, w5, b5, tk=2048):
    k, l = emb.shape
    h = w4.shape[1]
    d = w5.shape[1]
    grid = (k // tk,)
    return pl.pallas_call(
        _dectable_body,
        grid=grid,
        in_specs=[
            pl.BlockSpec((tk, l), lambda i: (i, 0)),
            pl.BlockSpec((l, h), lambda i: (0, 0)),
            pl.BlockSpec((1, h), lambda i: (0, 0)),
            pl.BlockSpec((h, d), lambda i: (0, 0)),
            pl.BlockSpec((1, d), lambda i: (0, 0)),
        ],
        out_specs=pl.BlockSpec((tk, d), lambda i: (i, 0)),
        out_shape=jax.ShapeDtypeStruct((k, d), jnp.float32),
    )(emb, w4, b4, w5, b5)


def _sc_gather_call(idx3, dec):
    nw, nj, jc = idx3.shape
    bpw = nj * jc
    bsz = nw * bpw
    d = dec.shape[1]
    mesh = plsc.VectorSubcoreMesh(core_axis_name="c", subcore_axis_name="s")

    @functools.partial(
        pl.kernel,
        mesh=mesh,
        out_type=jax.ShapeDtypeStruct((bsz, d), jnp.float32),
        scratch_types=[
            pltpu.VMEM((nj, jc), jnp.int32),
            pltpu.VMEM((bpw, d), jnp.float32),
            pltpu.SemaphoreType.DMA,
        ],
    )
    def sc_kernel(idx_hbm, dec_hbm, out_hbm, idx_v, dec_v, sem):
        wid = lax.axis_index("s") * 2 + lax.axis_index("c")
        base = wid * bpw
        pltpu.sync_copy(idx_hbm.at[wid], idx_v)
        copies = []
        for j in range(nj):
            copies.append(pltpu.async_copy(
                dec_hbm.at[idx_v.at[j]], dec_v.at[pl.ds(j * jc, jc)], sem))
        for cp in copies:
            cp.wait()
        pltpu.sync_copy(dec_v, out_hbm.at[pl.ds(base, bpw)])

    return sc_kernel(idx3, dec)


def _finalize_body(dmin_ref, cnt_ref, ql_ref, perp_ref, *, beta, nelem):
    dmin = dmin_ref[...]
    cb = jnp.sum(dmin * dmin) * (1.0 / nelem)
    ql_ref[...] = jnp.reshape(cb + beta * cb, (1, 1))
    bsz = dmin.shape[0]
    e_mean = cnt_ref[...] * (1.0 / bsz)
    plogp = e_mean * jnp.log(e_mean + 1e-10)
    perp_ref[...] = jnp.reshape(jnp.exp(-jnp.sum(plogp)), (1, 1))


def _finalize_call(dmin, counts, l, beta=0.25):
    bsz = dmin.shape[0]
    k = counts.shape[1]
    return pl.pallas_call(
        functools.partial(_finalize_body, beta=beta, nelem=bsz * l),
        grid=(1,),
        in_specs=[
            pl.BlockSpec((bsz, 1), lambda i: (0, 0)),
            pl.BlockSpec((1, k), lambda i: (0, 0)),
        ],
        out_specs=[
            pl.BlockSpec((1, 1), lambda i: (0, 0)),
            pl.BlockSpec((1, 1), lambda i: (0, 0)),
        ],
        out_shape=[
            jax.ShapeDtypeStruct((1, 1), jnp.float32),
            jax.ShapeDtypeStruct((1, 1), jnp.float32),
        ],
    )(dmin, counts)


def kernel(x, W1, b1, W2, b2, W3, b3, emb, W4, b4, W5, b5):
    bsz, d = x.shape
    k, l = emb.shape
    b1r, b2r, b3r = b1.reshape(1, -1), b2.reshape(1, -1), b3.reshape(1, -1)
    b4r, b5r = b4.reshape(1, -1), b5.reshape(1, -1)

    dec = _dectable_call(emb, W4, b4r, W5, b5r)
    qi = _encoder_call(x, W1, b1r, W2, b2r, W3, b3r)
    idx2, dmin = _argmin_call(qi, emb)
    idx3 = idx2.reshape(bsz // 512, 4, 128)
    out = _sc_gather_call(idx3, dec)
    minenc, counts = _onehot_call(idx2, k)
    ql, perp = _finalize_call(dmin, counts, l)
    return (out, ql.reshape(()), perp.reshape(()), minenc, idx2)

# --- scband reference (transcript-rebuilt; emitter-appended) ---
"""Pipeline reference for scband-vqvae-47218870452303 (READ-ONLY COPY).

The authoritative reference and input builder live on the scoring server;
editing this copy changes nothing except your own understanding.
"""

import jax, jax.numpy as jnp
import numpy as np

B = 16384
D = 128   # n_descriptors
H = 512   # n_hidden_dim
L = 64    # latent_space_dim
K = 8192  # struct_vocab_size
BETA = 0.25


def _unif(k, shape, fan_in):
    s = 1.0 / np.sqrt(fan_in)
    return jax.random.uniform(k, shape, minval=-s, maxval=s, dtype=jnp.float32)


def setup_inputs(seed: int = 0) -> dict:
    key = jax.random.key(seed)
    ks = jax.random.split(key, 16)
    inp = {}
    inp["x"] = jax.random.normal(ks[0], (B, D), dtype=jnp.float32)
    # encoder: Linear(D,H) -> ReLU -> Linear(H,H) -> ReLU -> Linear(H,L)
    inp["W1"] = _unif(ks[1], (D, H), D)
    inp["b1"] = _unif(ks[2], (H,), D)
    inp["W2"] = _unif(ks[3], (H, H), H)
    inp["b2"] = _unif(ks[4], (H,), H)
    inp["W3"] = _unif(ks[5], (H, L), H)
    inp["b3"] = _unif(ks[6], (L,), H)
    # embedding codebook, uniform(-1/K, 1/K)
    inp["emb"] = jax.random.uniform(ks[7], (K, L), minval=-1.0 / K, maxval=1.0 / K, dtype=jnp.float32)
    # decoder: Linear(L,H) -> ReLU -> Linear(H,D)
    inp["W4"] = _unif(ks[8], (L, H), L)
    inp["b4"] = _unif(ks[9], (H,), L)
    inp["W5"] = _unif(ks[10], (H, D), H)
    inp["b5"] = _unif(ks[11], (D,), H)
    return inp


def reference(x, W1, b1, W2, b2, W3, b3, emb, W4, b4, W5, b5):
    # encoder
    h = jnp.maximum(x @ W1 + b1, 0.0)
    h = jnp.maximum(h @ W2 + b2, 0.0)
    quant_input = h @ W3 + b3  # [B, L]
    # torch.cdist (euclidean)
    d2 = (jnp.sum(quant_input * quant_input, axis=1, keepdims=True)
          - 2.0 * (quant_input @ emb.T)
          + jnp.sum(emb * emb, axis=1)[None, :])
    distances = jnp.sqrt(jnp.clip(d2, 0.0))  # [B, K]
    min_idx = jnp.argmin(distances, axis=1)  # [B]
    min_encoding_indices = min_idx[:, None]  # [B, 1]
    # scatter one-hot
    min_encodings = jax.nn.one_hot(min_idx, K, dtype=jnp.float32)  # [B, K]
    quant_out = min_encodings @ emb  # [B, L]
    e_mean = jnp.mean(min_encodings, axis=0)
    perplexity = jnp.exp(-jnp.sum(e_mean * jnp.log(e_mean + 1e-10)))
    code_book_loss = jnp.mean((jax.lax.stop_gradient(quant_input) - quant_out) ** 2)
    commitment_loss = jnp.mean((quant_input - jax.lax.stop_gradient(quant_out)) ** 2)
    quant_loss = code_book_loss + BETA * commitment_loss
    # straight-through estimator
    quant_out_st = quant_input + jax.lax.stop_gradient(quant_out - quant_input)
    # decoder
    d = jnp.maximum(quant_out_st @ W4 + b4, 0.0)
    output = d @ W5 + b5
    return (output, quant_loss, perplexity, min_encodings, min_encoding_indices)

if __name__ == "__main__":
    import jax
    _d = setup_inputs()
    print(jax.jit(kernel)(*tuple(_d.values())))

</pallas_src>

<mosaic_0001>
#map = affine_map<(d0, d1) -> (0, 0, 0)>
#map1 = affine_map<(d0, d1) -> (0, 0)>
module attributes {stable_mosaic.version = 14 : i64} {
  func.func @sc_kernel(%arg0: i32, %arg1: i32, %arg2: memref<32x4x128xi32, #tpu.memory_space<hbm>>, %arg3: memref<8192x128xf32, #tpu.memory_space<hbm>>, %arg4: memref<16384x128xf32, #tpu.memory_space<hbm>>, %arg5: memref<4x128xi32, #tpu.memory_space<vmem>>, %arg6: memref<512x128xf32, #tpu.memory_space<vmem>>, %arg7: memref<!tpu.dma_semaphore, #tpu.memory_space<semaphore_mem>>) attributes {dimension_semantics = [#tpu.dimension_semantics<core_parallel>, #tpu.dimension_semantics<subcore_parallel>], iteration_bounds = array<i64: 2, 16>, scalar_prefetch = 0 : i64, scratch_operands = 3 : i64, tpu.core_type = #tpu.core_type<sc_vector_subcore>, window_params = [{transform_indices = #map}, {transform_indices = #map1}, {transform_indices = #map1}]} {
    %mul3A = arith.constant 2 : i32
    %mul3A_0 = arith.muli %arg1, %mul3A : i32
    %add3A = arith.addi %mul3A_0, %arg0 : i32
    %mul3A_1 = arith.constant 512 : i32
    %mul3A_2 = arith.muli %add3A, %mul3A_1 : i32
    "tpu.region"() ({
      %run_scoped3A = tpu.sem_alloc : memref<!tpu.dma_semaphore, #tpu.memory_space<semaphore_mem>>
      %dma_start3A_81 = arith.constant 0 : i32
      %dma_start3A_82 = arith.constant 0 : i32
      %dma_start3A_83 = tpu.memref_slice %arg2[%add3A, %dma_start3A_81, %dma_start3A_82] : memref<32x4x128xi32, #tpu.memory_space<hbm>> -> memref<1x4x128xi32, #tpu.memory_space<hbm>>
      %dma_start3A_84 = tpu.memref_squeeze %dma_start3A_83 : memref<1x4x128xi32, #tpu.memory_space<hbm>> -> memref<4x128xi32, #tpu.memory_space<hbm>>
      %dma_start3A_85 = arith.constant 0 : i32
      %dma_start3A_86 = arith.constant 0 : i32
      %dma_start3A_87 = tpu.memref_slice %arg2[%add3A, %dma_start3A_85, %dma_start3A_86] : memref<32x4x128xi32, #tpu.memory_space<hbm>> -> memref<1x4x128xi32, #tpu.memory_space<hbm>>
      %dma_start3A_88 = tpu.memref_squeeze %dma_start3A_87 : memref<1x4x128xi32, #tpu.memory_space<hbm>> -> memref<4x128xi32, #tpu.memory_space<hbm>>
      tpu.enqueue_dma source(%dma_start3A_88 : memref<4x128xi32, #tpu.memory_space<hbm>>) target(%arg5 : memref<4x128xi32, #tpu.memory_space<vmem>>) target_semaphore(%run_scoped3A : memref<!tpu.dma_semaphore, #tpu.memory_space<semaphore_mem>>)
      %dma_wait3A_89 = arith.constant 0 : i32
      %dma_wait3A_90 = arith.constant 0 : i32
      %dma_wait3A_91 = tpu.memref_slice %arg2[%add3A, %dma_wait3A_89, %dma_wait3A_90] : memref<32x4x128xi32, #tpu.memory_space<hbm>> -> memref<1x4x128xi32, #tpu.memory_space<hbm>>
      %dma_wait3A_92 = tpu.memref_squeeze %dma_wait3A_91 : memref<1x4x128xi32, #tpu.memory_space<hbm>> -> memref<4x128xi32, #tpu.memory_space<hbm>>
      %dma_wait3A_93 = arith.constant 0 : i32
      %dma_wait3A_94 = arith.constant 0 : i32
      %dma_wait3A_95 = tpu.memref_slice %arg2[%add3A, %dma_wait3A_93, %dma_wait3A_94] : memref<32x4x128xi32, #tpu.memory_space<hbm>> -> memref<1x4x128xi32, #tpu.memory_space<hbm>>
      %dma_wait3A_96 = tpu.memref_squeeze %dma_wait3A_95 : memref<1x4x128xi32, #tpu.memory_space<hbm>> -> memref<4x128xi32, #tpu.memory_space<hbm>>
      tpu.wait_dma2 semaphore(%run_scoped3A : memref<!tpu.dma_semaphore, #tpu.memory_space<semaphore_mem>>) src(%dma_wait3A_96 : memref<4x128xi32, #tpu.memory_space<hbm>>) dst(%arg5 : memref<4x128xi32, #tpu.memory_space<vmem>>)
      tpu.yield
    }) : () -> ()
    %dma_start3A = arith.constant 0 : i32
    %dma_start3A_3 = arith.constant 0 : i32
    %dma_start3A_4 = arith.constant 0 : i32
    %dma_start3A_5 = tpu.memref_slice %arg6[%dma_start3A_3, %dma_start3A_4] : memref<512x128xf32, #tpu.memory_space<vmem>> -> memref<128x128xf32, #tpu.memory_space<vmem>>
    %dma_start3A_6 = arith.constant 0 : i32
    %dma_start3A_7 = tpu.memref_slice %arg5[%dma_start3A, %dma_start3A_6] : memref<4x128xi32, #tpu.memory_space<vmem>> -> memref<1x128xi32, #tpu.memory_space<vmem>>
    %dma_start3A_8 = tpu.memref_squeeze %dma_start3A_7 : memref<1x128xi32, #tpu.memory_space<vmem>> -> memref<128xi32, #tpu.memory_space<vmem>>
    %dma_start3A_9 = arith.constant 0 : i32
    %dma_start3A_10 = arith.constant 0 : i32
    %dma_start3A_11 = tpu.memref_slice %arg3[%dma_start3A_9, %dma_start3A_10] : memref<8192x128xf32, #tpu.memory_space<hbm>> -> memref<8192x128xf32, #tpu.memory_space<hbm>>
    tpu.enqueue_indirect_dma source(%dma_start3A_11 : memref<8192x128xf32, #tpu.memory_space<hbm>>) target(%dma_start3A_5 : memref<128x128xf32, #tpu.memory_space<vmem>>) offsets(%dma_start3A_8 : memref<128xi32, #tpu.memory_space<vmem>>) semaphore(%arg7 : memref<!tpu.dma_semaphore, #tpu.memory_space<semaphore_mem>>)
    %dma_start3A_12 = arith.constant 1 : i32
    %dma_start3A_13 = arith.constant 128 : i32
    %dma_start3A_14 = arith.constant 0 : i32
    %dma_start3A_15 = tpu.memref_slice %arg6[%dma_start3A_13, %dma_start3A_14] : memref<512x128xf32, #tpu.memory_space<vmem>> -> memref<128x128xf32, #tpu.memory_space<vmem>>
    %dma_start3A_16 = arith.constant 0 : i32
    %dma_start3A_17 = tpu.memref_slice %arg5[%dma_start3A_12, %dma_start3A_16] : memref<4x128xi32, #tpu.memory_space<vmem>> -> memref<1x128xi32, #tpu.memory_space<vmem>>
    %dma_start3A_18 = tpu.memref_squeeze %dma_start3A_17 : memref<1x128xi32, #tpu.memory_space<vmem>> -> memref<128xi32, #tpu.memory_space<vmem>>
    %dma_start3A_19 = arith.constant 0 : i32
    %dma_start3A_20 = arith.constant 0 : i32
    %dma_start3A_21 = tpu.memref_slice %arg3[%dma_start3A_19, %dma_start3A_20] : memref<8192x128xf32, #tpu.memory_space<hbm>> -> memref<8192x128xf32, #tpu.memory_space<hbm>>
    tpu.enqueue_indirect_dma source(%dma_start3A_21 : memref<8192x128xf32, #tpu.memory_space<hbm>>) target(%dma_start3A_15 : memref<128x128xf32, #tpu.memory_space<vmem>>) offsets(%dma_start3A_18 : memref<128xi32, #tpu.memory_space<vmem>>) semaphore(%arg7 : memref<!tpu.dma_semaphore, #tpu.memory_space<semaphore_mem>>)
    %dma_start3A_22 = arith.constant 2 : i32
    %dma_start3A_23 = arith.constant 256 : i32
    %dma_start3A_24 = arith.constant 0 : i32
    %dma_start3A_25 = tpu.memref_slice %arg6[%dma_start3A_23, %dma_start3A_24] : memref<512x128xf32, #tpu.memory_space<vmem>> -> memref<128x128xf32, #tpu.memory_space<vmem>>
    %dma_start3A_26 = arith.constant 0 : i32
    %dma_start3A_27 = tpu.memref_slice %arg5[%dma_start3A_22, %dma_start3A_26] : memref<4x128xi32, #tpu.memory_space<vmem>> -> memref<1x128xi32, #tpu.memory_space<vmem>>
    %dma_start3A_28 = tpu.memref_squeeze %dma_start3A_27 : memref<1x128xi32, #tpu.memory_space<vmem>> -> memref<128xi32, #tpu.memory_space<vmem>>
    %dma_start3A_29 = arith.constant 0 : i32
    %dma_start3A_30 = arith.constant 0 : i32
    %dma_start3A_31 = tpu.memref_slice %arg3[%dma_start3A_29, %dma_start3A_30] : memref<8192x128xf32, #tpu.memory_space<hbm>> -> memref<8192x128xf32, #tpu.memory_space<hbm>>
    tpu.enqueue_indirect_dma source(%dma_start3A_31 : memref<8192x128xf32, #tpu.memory_space<hbm>>) target(%dma_start3A_25 : memref<128x128xf32, #tpu.memory_space<vmem>>) offsets(%dma_start3A_28 : memref<128xi32, #tpu.memory_space<vmem>>) semaphore(%arg7 : memref<!tpu.dma_semaphore, #tpu.memory_space<semaphore_mem>>)
    %dma_start3A_32 = arith.constant 3 : i32
    %dma_start3A_33 = arith.constant 384 : i32
    %dma_start3A_34 = arith.constant 0 : i32
    %dma_start3A_35 = tpu.memref_slice %arg6[%dma_start3A_33, %dma_start3A_34] : memref<512x128xf32, #tpu.memory_space<vmem>> -> memref<128x128xf32, #tpu.memory_space<vmem>>
    %dma_start3A_36 = arith.constant 0 : i32
    %dma_start3A_37 = tpu.memref_slice %arg5[%dma_start3A_32, %dma_start3A_36] : memref<4x128xi32, #tpu.memory_space<vmem>> -> memref<1x128xi32, #tpu.memory_space<vmem>>
    %dma_start3A_38 = tpu.memref_squeeze %dma_start3A_37 : memref<1x128xi32, #tpu.memory_space<vmem>> -> memref<128xi32, #tpu.memory_space<vmem>>
    %dma_start3A_39 = arith.constant 0 : i32
    %dma_start3A_40 = arith.constant 0 : i32
    %dma_start3A_41 = tpu.memref_slice %arg3[%dma_start3A_39, %dma_start3A_40] : memref<8192x128xf32, #tpu.memory_space<hbm>> -> memref<8192x128xf32, #tpu.memory_space<hbm>>
    tpu.enqueue_indirect_dma source(%dma_start3A_41 : memref<8192x128xf32, #tpu.memory_space<hbm>>) target(%dma_start3A_35 : memref<128x128xf32, #tpu.memory_space<vmem>>) offsets(%dma_start3A_38 : memref<128xi32, #tpu.memory_space<vmem>>) semaphore(%arg7 : memref<!tpu.dma_semaphore, #tpu.memory_space<semaphore_mem>>)
    %dma_wait3A = arith.constant 0 : i32
    %dma_wait3A_42 = arith.constant 0 : i32
    %dma_wait3A_43 = arith.constant 0 : i32
    %dma_wait3A_44 = tpu.memref_slice %arg6[%dma_wait3A_42, %dma_wait3A_43] : memref<512x128xf32, #tpu.memory_space<vmem>> -> memref<128x128xf32, #tpu.memory_space<vmem>>
    %dma_wait3A_45 = arith.constant 0 : i32
    %dma_wait3A_46 = tpu.memref_slice %arg5[%dma_wait3A, %dma_wait3A_45] : memref<4x128xi32, #tpu.memory_space<vmem>> -> memref<1x128xi32, #tpu.memory_space<vmem>>
    %dma_wait3A_47 = tpu.memref_squeeze %dma_wait3A_46 : memref<1x128xi32, #tpu.memory_space<vmem>> -> memref<128xi32, #tpu.memory_space<vmem>>
    %dma_wait3A_48 = arith.constant 0 : i32
    %dma_wait3A_49 = arith.constant 0 : i32
    %dma_wait3A_50 = tpu.memref_slice %arg3[%dma_wait3A_48, %dma_wait3A_49] : memref<8192x128xf32, #tpu.memory_space<hbm>> -> memref<8192x128xf32, #tpu.memory_space<hbm>>
    tpu.wait_indirect_dma semaphore(%arg7 : memref<!tpu.dma_semaphore, #tpu.memory_space<semaphore_mem>>) src(%dma_wait3A_50 : memref<8192x128xf32, #tpu.memory_space<hbm>>) dst(%dma_wait3A_44 : memref<128x128xf32, #tpu.memory_space<vmem>>)
    %dma_wait3A_51 = arith.constant 1 : i32
    %dma_wait3A_52 = arith.constant 128 : i32
    %dma_wait3A_53 = arith.constant 0 : i32
    %dma_wait3A_54 = tpu.memref_slice %arg6[%dma_wait3A_52, %dma_wait3A_53] : memref<512x128xf32, #tpu.memory_space<vmem>> -> memref<128x128xf32, #tpu.memory_space<vmem>>
    %dma_wait3A_55 = arith.constant 0 : i32
    %dma_wait3A_56 = tpu.memref_slice %arg5[%dma_wait3A_51, %dma_wait3A_55] : memref<4x128xi32, #tpu.memory_space<vmem>> -> memref<1x128xi32, #tpu.memory_space<vmem>>
    %dma_wait3A_57 = tpu.memref_squeeze %dma_wait3A_56 : memref<1x128xi32, #tpu.memory_space<vmem>> -> memref<128xi32, #tpu.memory_space<vmem>>
    %dma_wait3A_58 = arith.constant 0 : i32
    %dma_wait3A_59 = arith.constant 0 : i32
    %dma_wait3A_60 = tpu.memref_slice %arg3[%dma_wait3A_58, %dma_wait3A_59] : memref<8192x128xf32, #tpu.memory_space<hbm>> -> memref<8192x128xf32, #tpu.memory_space<hbm>>
    tpu.wait_indirect_dma semaphore(%arg7 : memref<!tpu.dma_semaphore, #tpu.memory_space<semaphore_mem>>) src(%dma_wait3A_60 : memref<8192x128xf32, #tpu.memory_space<hbm>>) dst(%dma_wait3A_54 : memref<128x128xf32, #tpu.memory_space<vmem>>)
    %dma_wait3A_61 = arith.constant 2 : i32
    %dma_wait3A_62 = arith.constant 256 : i32
    %dma_wait3A_63 = arith.constant 0 : i32
    %dma_wait3A_64 = tpu.memref_slice %arg6[%dma_wait3A_62, %dma_wait3A_63] : memref<512x128xf32, #tpu.memory_space<vmem>> -> memref<128x128xf32, #tpu.memory_space<vmem>>
    %dma_wait3A_65 = arith.constant 0 : i32
    %dma_wait3A_66 = tpu.memref_slice %arg5[%dma_wait3A_61, %dma_wait3A_65] : memref<4x128xi32, #tpu.memory_space<vmem>> -> memref<1x128xi32, #tpu.memory_space<vmem>>
    %dma_wait3A_67 = tpu.memref_squeeze %dma_wait3A_66 : memref<1x128xi32, #tpu.memory_space<vmem>> -> memref<128xi32, #tpu.memory_space<vmem>>
    %dma_wait3A_68 = arith.constant 0 : i32
    %dma_wait3A_69 = arith.constant 0 : i32
    %dma_wait3A_70 = tpu.memref_slice %arg3[%dma_wait3A_68, %dma_wait3A_69] : memref<8192x128xf32, #tpu.memory_space<hbm>> -> memref<8192x128xf32, #tpu.memory_space<hbm>>
    tpu.wait_indirect_dma semaphore(%arg7 : memref<!tpu.dma_semaphore, #tpu.memory_space<semaphore_mem>>) src(%dma_wait3A_70 : memref<8192x128xf32, #tpu.memory_space<hbm>>) dst(%dma_wait3A_64 : memref<128x128xf32, #tpu.memory_space<vmem>>)
    %dma_wait3A_71 = arith.constant 3 : i32
    %dma_wait3A_72 = arith.constant 384 : i32
    %dma_wait3A_73 = arith.constant 0 : i32
    %dma_wait3A_74 = tpu.memref_slice %arg6[%dma_wait3A_72, %dma_wait3A_73] : memref<512x128xf32, #tpu.memory_space<vmem>> -> memref<128x128xf32, #tpu.memory_space<vmem>>
    %dma_wait3A_75 = arith.constant 0 : i32
    %dma_wait3A_76 = tpu.memref_slice %arg5[%dma_wait3A_71, %dma_wait3A_75] : memref<4x128xi32, #tpu.memory_space<vmem>> -> memref<1x128xi32, #tpu.memory_space<vmem>>
    %dma_wait3A_77 = tpu.memref_squeeze %dma_wait3A_76 : memref<1x128xi32, #tpu.memory_space<vmem>> -> memref<128xi32, #tpu.memory_space<vmem>>
    %dma_wait3A_78 = arith.constant 0 : i32
    %dma_wait3A_79 = arith.constant 0 : i32
    %dma_wait3A_80 = tpu.memref_slice %arg3[%dma_wait3A_78, %dma_wait3A_79] : memref<8192x128xf32, #tpu.memory_space<hbm>> -> memref<8192x128xf32, #tpu.memory_space<hbm>>
    tpu.wait_indirect_dma semaphore(%arg7 : memref<!tpu.dma_semaphore, #tpu.memory_space<semaphore_mem>>) src(%dma_wait3A_80 : memref<8192x128xf32, #tpu.memory_space<hbm>>) dst(%dma_wait3A_74 : memref<128x128xf32, #tpu.memory_space<vmem>>)
    "tpu.region"() ({
      %run_scoped3A = tpu.sem_alloc : memref<!tpu.dma_semaphore, #tpu.memory_space<semaphore_mem>>
      %dma_start3A_81 = arith.constant 0 : i32
      %dma_start3A_82 = tpu.memref_slice %arg4[%mul3A_2, %dma_start3A_81] : memref<16384x128xf32, #tpu.memory_space<hbm>> -> memref<512x128xf32, #tpu.memory_space<hbm>>
      %dma_start3A_83 = arith.constant 0 : i32
      %dma_start3A_84 = tpu.memref_slice %arg4[%mul3A_2, %dma_start3A_83] : memref<16384x128xf32, #tpu.memory_space<hbm>> -> memref<512x128xf32, #tpu.memory_space<hbm>>
      tpu.enqueue_dma source(%arg6 : memref<512x128xf32, #tpu.memory_space<vmem>>) target(%dma_start3A_84 : memref<512x128xf32, #tpu.memory_space<hbm>>) target_semaphore(%run_scoped3A : memref<!tpu.dma_semaphore, #tpu.memory_space<semaphore_mem>>)
      %dma_wait3A_85 = arith.constant 0 : i32
      %dma_wait3A_86 = tpu.memref_slice %arg4[%mul3A_2, %dma_wait3A_85] : memref<16384x128xf32, #tpu.memory_space<hbm>> -> memref<512x128xf32, #tpu.memory_space<hbm>>
      %dma_wait3A_87 = arith.constant 0 : i32
      %dma_wait3A_88 = tpu.memref_slice %arg4[%mul3A_2, %dma_wait3A_87] : memref<16384x128xf32, #tpu.memory_space<hbm>> -> memref<512x128xf32, #tpu.memory_space<hbm>>
      tpu.wait_dma2 semaphore(%run_scoped3A : memref<!tpu.dma_semaphore, #tpu.memory_space<semaphore_mem>>) src(%arg6 : memref<512x128xf32, #tpu.memory_space<vmem>>) dst(%dma_wait3A_88 : memref<512x128xf32, #tpu.memory_space<hbm>>)
      tpu.yield
    }) : () -> ()
    return
  }
}

module attributes {stable_mosaic.version = 14 : i64} {
  func.func @_argmin_body(%arg0: i32, %arg1: memref<512x64xf32, #tpu.memory_space<vmem>>, %arg2: memref<8192x64xf32, #tpu.memory_space<vmem>>, %arg3: memref<512x1xi32, #tpu.memory_space<vmem>>, %arg4: memref<512x1xf32, #tpu.memory_space<vmem>>) attributes {dimension_semantics = [#tpu.dimension_semantics<arbitrary>], iteration_bounds = array<i64: 32>, scalar_prefetch = 0 : i64, scratch_operands = 0 : i64, tpu.core_type = #tpu.core_type<tc>, window_params = [{transform_indices = @transform_0, window_bounds = array<i64: 512, 64>}, {pipeline_mode = #tpu.pipeline_mode<synchronous>, transform_indices = @transform_1, window_bounds = array<i64: 8192, 64>}, {transform_indices = @transform_2, window_bounds = array<i64: 512, 1>}, {transform_indices = @transform_3, window_bounds = array<i64: 512, 1>}]} {
    %get3A = arith.constant 0 : index
    %get3A_0 = arith.constant 0 : index
    %get3A_1 = vector.load %arg1[%get3A, %get3A_0] : memref<512x64xf32, #tpu.memory_space<vmem>>, vector<512x64xf32>
    %mul3A = arith.mulf %get3A_1, %get3A_1 : vector<512x64xf32>
    %reduce_sum3A = arith.constant dense<0.000000e+00> : vector<512xf32>
    %reduce_sum3A_2 = vector.multi_reduction <add>, %mul3A, %reduce_sum3A [1] : vector<512x64xf32> to vector<512xf32>
    %broadcast_in_dim3A = vector.shape_cast %reduce_sum3A_2 : vector<512xf32> to vector<512x1xf32>
    %broadcast_in_dim3A_3 = arith.constant 0x7F800000 : f32
    %broadcast_in_dim3A_4 = vector.broadcast %broadcast_in_dim3A_3 : f32 to vector<512x1xf32>
    %broadcast_in_dim3A_5 = arith.constant 0 : i32
    %broadcast_in_dim3A_6 = vector.broadcast %broadcast_in_dim3A_5 : i32 to vector<512x1xi32>
    %get3A_7 = arith.constant 0 : index
    %get3A_8 = arith.constant 0 : index
    %get3A_9 = vector.load %arg2[%get3A_7, %get3A_8] : memref<8192x64xf32, #tpu.memory_space<vmem>>, vector<1024x64xf32>
    %mul3A_10 = arith.mulf %get3A_9, %get3A_9 : vector<1024x64xf32>
    %reduce_sum3A_11 = arith.constant dense<0.000000e+00> : vector<1024xf32>
    %reduce_sum3A_12 = vector.multi_reduction <add>, %mul3A_10, %reduce_sum3A_11 [1] : vector<1024x64xf32> to vector<1024xf32>
    %dot_general3A = arith.constant dense<0.000000e+00> : vector<512x1024xf32>
    %dot_general3A_13 = tpu.matmul %get3A_1, %get3A_9, %dot_general3A {dimension_numbers = #tpu.dot_dimension_numbers<[1], [1], [0], [0], [0, 0, 1, 0], [], []>, transpose_lhs_hint = false} : vector<512x64xf32>, vector<1024x64xf32>, vector<512x1024xf32> -> vector<512x1024xf32>
    %mul3A_14 = arith.constant 2.000000e+00 : f32
    %mul3A_15 = vector.broadcast %mul3A_14 : f32 to vector<512x1024xf32>
    %mul3A_16 = arith.mulf %mul3A_15, %dot_general3A_13 : vector<512x1024xf32>
    %sub3A = vector.broadcast %broadcast_in_dim3A : vector<512x1xf32> to vector<512x1024xf32>
    %sub3A_17 = arith.subf %sub3A, %mul3A_16 : vector<512x1024xf32>
    %broadcast_in_dim3A_18 = vector.shape_cast %reduce_sum3A_12 : vector<1024xf32> to vector<1x1024xf32>
    %add3A = vector.broadcast %broadcast_in_dim3A_18 : vector<1x1024xf32> to vector<512x1024xf32>
    %add3A_19 = arith.addf %sub3A_17, %add3A : vector<512x1024xf32>
    %max3A = arith.constant 0.000000e+00 : f32
    %max3A_20 = vector.broadcast %max3A : f32 to vector<512x1024xf32>
    %max3A_21 = arith.maximumf %add3A_19, %max3A_20 : vector<512x1024xf32>
    %sqrt3A = math.sqrt %max3A_21 : vector<512x1024xf32>
    %reduce_min3A = arith.constant dense<0x7F800000> : vector<512xf32>
    %reduce_min3A_22 = vector.multi_reduction <minimumf>, %sqrt3A, %reduce_min3A [1] : vector<512x1024xf32> to vector<512xf32>
    %broadcast_in_dim3A_23 = vector.shape_cast %reduce_min3A_22 : vector<512xf32> to vector<512x1xf32>
    %iota3A = tpu.iota {dimensions = array<i32: 1>} : vector<512x1024xi32>
    %eq3A = vector.broadcast %broadcast_in_dim3A_23 : vector<512x1xf32> to vector<512x1024xf32>
    %eq3A_24 = arith.cmpf oeq, %sqrt3A, %eq3A : vector<512x1024xf32>
    %jit3A = arith.constant 8192 : i32
    %broadcast_in_dim3A_25 = vector.broadcast %jit3A : i32 to vector<512x1024xi32>
    %select_n3A = arith.select %eq3A_24, %iota3A, %broadcast_in_dim3A_25 : vector<512x1024xi1>, vector<512x1024xi32>
    %reduce_min3A_26 = arith.constant dense<2147483647> : vector<512xi32>
    %reduce_min3A_27 = vector.multi_reduction <minsi>, %select_n3A, %reduce_min3A_26 [1] : vector<512x1024xi32> to vector<512xi32>
    %broadcast_in_dim3A_28 = vector.shape_cast %reduce_min3A_27 : vector<512xi32> to vector<512x1xi32>
    %add3A_29 = arith.constant 0 : i32
    %add3A_30 = vector.broadcast %add3A_29 : i32 to vector<512x1xi32>
    %add3A_31 = arith.addi %broadcast_in_dim3A_28, %add3A_30 : vector<512x1xi32>
    %lt3A = arith.cmpf olt, %broadcast_in_dim3A_23, %broadcast_in_dim3A_4 : vector<512x1xf32>
    %select_n3A_32 = arith.select %lt3A, %add3A_31, %broadcast_in_dim3A_6 : vector<512x1xi1>, vector<512x1xi32>
    %select_n3A_33 = arith.select %lt3A, %broadcast_in_dim3A_23, %broadcast_in_dim3A_4 : vector<512x1xi1>, vector<512x1xf32>
    %get3A_34 = arith.constant 1024 : index
    %get3A_35 = arith.constant 0 : index
    %get3A_36 = vector.load %arg2[%get3A_34, %get3A_35] : memref<8192x64xf32, #tpu.memory_space<vmem>>, vector<1024x64xf32>
    %mul3A_37 = arith.mulf %get3A_36, %get3A_36 : vector<1024x64xf32>
    %reduce_sum3A_38 = arith.constant dense<0.000000e+00> : vector<1024xf32>
    %reduce_sum3A_39 = vector.multi_reduction <add>, %mul3A_37, %reduce_sum3A_38 [1] : vector<1024x64xf32> to vector<1024xf32>
    %dot_general3A_40 = arith.constant dense<0.000000e+00> : vector<512x1024xf32>
    %dot_general3A_41 = tpu.matmul %get3A_1, %get3A_36, %dot_general3A_40 {dimension_numbers = #tpu.dot_dimension_numbers<[1], [1], [0], [0], [0, 0, 1, 0], [], []>, transpose_lhs_hint = false} : vector<512x64xf32>, vector<1024x64xf32>, vector<512x1024xf32> -> vector<512x1024xf32>
    %mul3A_42 = arith.constant 2.000000e+00 : f32
    %mul3A_43 = vector.broadcast %mul3A_42 : f32 to vector<512x1024xf32>
    %mul3A_44 = arith.mulf %mul3A_43, %dot_general3A_41 : vector<512x1024xf32>
    %sub3A_45 = vector.broadcast %broadcast_in_dim3A : vector<512x1xf32> to vector<512x1024xf32>
    %sub3A_46 = arith.subf %sub3A_45, %mul3A_44 : vector<512x1024xf32>
    %broadcast_in_dim3A_47 = vector.shape_cast %reduce_sum3A_39 : vector<1024xf32> to vector<1x1024xf32>
    %add3A_48 = vector.broadcast %broadcast_in_dim3A_47 : vector<1x1024xf32> to vector<512x1024xf32>
    %add3A_49 = arith.addf %sub3A_46, %add3A_48 : vector<512x1024xf32>
    %max3A_50 = arith.constant 0.000000e+00 : f32
    %max3A_51 = vector.broadcast %max3A_50 : f32 to vector<512x1024xf32>
    %max3A_52 = arith.maximumf %add3A_49, %max3A_51 : vector<512x1024xf32>
    %sqrt3A_53 = math.sqrt %max3A_52 : vector<512x1024xf32>
    %reduce_min3A_54 = arith.constant dense<0x7F800000> : vector<512xf32>
    %reduce_min3A_55 = vector.multi_reduction <minimumf>, %sqrt3A_53, %reduce_min3A_54 [1] : vector<512x1024xf32> to vector<512xf32>
    %broadcast_in_dim3A_56 = vector.shape_cast %reduce_min3A_55 : vector<512xf32> to vector<512x1xf32>
    %iota3A_57 = tpu.iota {dimensions = array<i32: 1>} : vector<512x1024xi32>
    %eq3A_58 = vector.broadcast %broadcast_in_dim3A_56 : vector<512x1xf32> to vector<512x1024xf32>
    %eq3A_59 = arith.cmpf oeq, %sqrt3A_53, %eq3A_58 : vector<512x1024xf32>
    %jit3A_60 = arith.constant 8192 : i32
    %broadcast_in_dim3A_61 = vector.broadcast %jit3A_60 : i32 to vector<512x1024xi32>
    %select_n3A_62 = arith.select %eq3A_59, %iota3A_57, %broadcast_in_dim3A_61 : vector<512x1024xi1>, vector<512x1024xi32>
    %reduce_min3A_63 = arith.constant dense<2147483647> : vector<512xi32>
    %reduce_min3A_64 = vector.multi_reduction <minsi>, %select_n3A_62, %reduce_min3A_63 [1] : vector<512x1024xi32> to vector<512xi32>
    %broadcast_in_dim3A_65 = vector.shape_cast %reduce_min3A_64 : vector<512xi32> to vector<512x1xi32>
    %add3A_66 = arith.constant 1024 : i32
    %add3A_67 = vector.broadcast %add3A_66 : i32 to vector<512x1xi32>
    %add3A_68 = arith.addi %broadcast_in_dim3A_65, %add3A_67 : vector<512x1xi32>
    %lt3A_69 = arith.cmpf olt, %broadcast_in_dim3A_56, %select_n3A_33 : vector<512x1xf32>
    %select_n3A_70 = arith.select %lt3A_69, %add3A_68, %select_n3A_32 : vector<512x1xi1>, vector<512x1xi32>
    %select_n3A_71 = arith.select %lt3A_69, %broadcast_in_dim3A_56, %select_n3A_33 : vector<512x1xi1>, vector<512x1xf32>
    %get3A_72 = arith.constant 2048 : index
    %get3A_73 = arith.constant 0 : index
    %get3A_74 = vector.load %arg2[%get3A_72, %get3A_73] : memref<8192x64xf32, #tpu.memory_space<vmem>>, vector<1024x64xf32>
    %mul3A_75 = arith.mulf %get3A_74, %get3A_74 : vector<1024x64xf32>
    %reduce_sum3A_76 = arith.constant dense<0.000000e+00> : vector<1024xf32>
    %reduce_sum3A_77 = vector.multi_reduction <add>, %mul3A_75, %reduce_sum3A_76 [1] : vector<1024x64xf32> to vector<1024xf32>
    %dot_general3A_78 = arith.constant dense<0.000000e+00> : vector<512x1024xf32>
    %dot_general3A_79 = tpu.matmul %get3A_1, %get3A_74, %dot_general3A_78 {dimension_numbers = #tpu.dot_dimension_numbers<[1], [1], [0], [0], [0, 0, 1, 0], [], []>, transpose_lhs_hint = false} : vector<512x64xf32>, vector<1024x64xf32>, vector<512x1024xf32> -> vector<512x1024xf32>
    %mul3A_80 = arith.constant 2.000000e+00 : f32
    %mul3A_81 = vector.broadcast %mul3A_80 : f32 to vector<512x1024xf32>
    %mul3A_82 = arith.mulf %mul3A_81, %dot_general3A_79 : vector<512x1024xf32>
    %sub3A_83 = vector.broadcast %broadcast_in_dim3A : vector<512x1xf32> to vector<512x1024xf32>
    %sub3A_84 = arith.subf %sub3A_83, %mul3A_82 : vector<512x1024xf32>
    %broadcast_in_dim3A_85 = vector.shape_cast %reduce_sum3A_77 : vector<1024xf32> to vector<1x1024xf32>
    %add3A_86 = vector.broadcast %broadcast_in_dim3A_85 : vector<1x1024xf32> to vector<512x1024xf32>
    %add3A_87 = arith.addf %sub3A_84, %add3A_86 : vector<512x1024xf32>
    %max3A_88 = arith.constant 0.000000e+00 : f32
    %max3A_89 = vector.broadcast %max3A_88 : f32 to vector<512x1024xf32>
    %max3A_90 = arith.maximumf %add3A_87, %max3A_89 : vector<512x1024xf32>
    %sqrt3A_91 = math.sqrt %max3A_90 : vector<512x1024xf32>
    %reduce_min3A_92 = arith.constant dense<0x7F800000> : vector<512xf32>
    %reduce_min3A_93 = vector.multi_reduction <minimumf>, %sqrt3A_91, %reduce_min3A_92 [1] : vector<512x1024xf32> to vector<512xf32>
    %broadcast_in_dim3A_94 = vector.shape_cast %reduce_min3A_93 : vector<512xf32> to vector<512x1xf32>
    %iota3A_95 = tpu.iota {dimensions = array<i32: 1>} : vector<512x1024xi32>
    %eq3A_96 = vector.broadcast %broadcast_in_dim3A_94 : vector<512x1xf32> to vector<512x1024xf32>
    %eq3A_97 = arith.cmpf oeq, %sqrt3A_91, %eq3A_96 : vector<512x1024xf32>
    %jit3A_98 = arith.constant 8192 : i32
    %broadcast_in_dim3A_99 = vector.broadcast %jit3A_98 : i32 to vector<512x1024xi32>
    %select_n3A_100 = arith.select %eq3A_97, %iota3A_95, %broadcast_in_dim3A_99 : vector<512x1024xi1>, vector<512x1024xi32>
    %reduce_min3A_101 = arith.constant dense<2147483647> : vector<512xi32>
    %reduce_min3A_102 = vector.multi_reduction <minsi>, %select_n3A_100, %reduce_min3A_101 [1] : vector<512x1024xi32> to vector<512xi32>
    %broadcast_in_dim3A_103 = vector.shape_cast %reduce_min3A_102 : vector<512xi32> to vector<512x1xi32>
    %add3A_104 = arith.constant 2048 : i32
    %add3A_105 = vector.broadcast %add3A_104 : i32 to vector<512x1xi32>
    %add3A_106 = arith.addi %broadcast_in_dim3A_103, %add3A_105 : vector<512x1xi32>
    %lt3A_107 = arith.cmpf olt, %broadcast_in_dim3A_94, %select_n3A_71 : vector<512x1xf32>
    %select_n3A_108 = arith.select %lt3A_107, %add3A_106, %select_n3A_70 : vector<512x1xi1>, vector<512x1xi32>
    %select_n3A_109 = arith.select %lt3A_107, %broadcast_in_dim3A_94, %select_n3A_71 : vector<512x1xi1>, vector<512x1xf32>
    %get3A_110 = arith.constant 3072 : index
    %get3A_111 = arith.constant 0 : index
    %get3A_112 = vector.load %arg2[%get3A_110, %get3A_111] : memref<8192x64xf32, #tpu.memory_space<vmem>>, vector<1024x64xf32>
    %mul3A_113 = arith.mulf %get3A_112, %get3A_112 : vector<1024x64xf32>
    %reduce_sum3A_114 = arith.constant dense<0.000000e+00> : vector<1024xf32>
    %reduce_sum3A_115 = vector.multi_reduction <add>, %mul3A_113, %reduce_sum3A_114 [1] : vector<1024x64xf32> to vector<1024xf32>
    %dot_general3A_116 = arith.constant dense<0.000000e+00> : vector<512x1024xf32>
    %dot_general3A_117 = tpu.matmul %get3A_1, %get3A_112, %dot_general3A_116 {dimension_numbers = #tpu.dot_dimension_numbers<[1], [1], [0], [0], [0, 0, 1, 0], [], []>, transpose_lhs_hint = false} : vector<512x64xf32>, vector<1024x64xf32>, vector<512x1024xf32> -> vector<512x1024xf32>
    %mul3A_118 = arith.constant 2.000000e+00 : f32
    %mul3A_119 = vector.broadcast %mul3A_118 : f32 to vector<512x1024xf32>
    %mul3A_120 = arith.mulf %mul3A_119, %dot_general3A_117 : vector<512x1024xf32>
    %sub3A_121 = vector.broadcast %broadcast_in_dim3A : vector<512x1xf32> to vector<512x1024xf32>
    %sub3A_122 = arith.subf %sub3A_121, %mul3A_120 : vector<512x1024xf32>
    %broadcast_in_dim3A_123 = vector.shape_cast %reduce_sum3A_115 : vector<1024xf32> to vector<1x1024xf32>
    %add3A_124 = vector.broadcast %broadcast_in_dim3A_123 : vector<1x1024xf32> to vector<512x1024xf32>
    %add3A_125 = arith.addf %sub3A_122, %add3A_124 : vector<512x1024xf32>
    %max3A_126 = arith.constant 0.000000e+00 : f32
    %max3A_127 = vector.broadcast %max3A_126 : f32 to vector<512x1024xf32>
    %max3A_128 = arith.maximumf %add3A_125, %max3A_127 : vector<512x1024xf32>
    %sqrt3A_129 = math.sqrt %max3A_128 : vector<512x1024xf32>
    %reduce_min3A_130 = arith.constant dense<0x7F800000> : vector<512xf32>
    %reduce_min3A_131 = vector.multi_reduction <minimumf>, %sqrt3A_129, %reduce_min3A_130 [1] : vector<512x1024xf32> to vector<512xf32>
    %broadcast_in_dim3A_132 = vector.shape_cast %reduce_min3A_131 : vector<512xf32> to vector<512x1xf32>
    %iota3A_133 = tpu.iota {dimensions = array<i32: 1>} : vector<512x1024xi32>
    %eq3A_134 = vector.broadcast %broadcast_in_dim3A_132 : vector<512x1xf32> to vector<512x1024xf32>
    %eq3A_135 = arith.cmpf oeq, %sqrt3A_129, %eq3A_134 : vector<512x1024xf32>
    %jit3A_136 = arith.constant 8192 : i32
    %broadcast_in_dim3A_137 = vector.broadcast %jit3A_136 : i32 to vector<512x1024xi32>
    %select_n3A_138 = arith.select %eq3A_135, %iota3A_133, %broadcast_in_dim3A_137 : vector<512x1024xi1>, vector<512x1024xi32>
    %reduce_min3A_139 = arith.constant dense<2147483647> : vector<512xi32>
    %reduce_min3A_140 = vector.multi_reduction <minsi>, %select_n3A_138, %reduce_min3A_139 [1] : vector<512x1024xi32> to vector<512xi32>
    %broadcast_in_dim3A_141 = vector.shape_cast %reduce_min3A_140 : vector<512xi32> to vector<512x1xi32>
    %add3A_142 = arith.constant 3072 : i32
    %add3A_143 = vector.broadcast %add3A_142 : i32 to vector<512x1xi32>
    %add3A_144 = arith.addi %broadcast_in_dim3A_141, %add3A_143 : vector<512x1xi32>
    %lt3A_145 = arith.cmpf olt, %broadcast_in_dim3A_132, %select_n3A_109 : vector<512x1xf32>
    %select_n3A_146 = arith.select %lt3A_145, %add3A_144, %select_n3A_108 : vector<512x1xi1>, vector<512x1xi32>
    %select_n3A_147 = arith.select %lt3A_145, %broadcast_in_dim3A_132, %select_n3A_109 : vector<512x1xi1>, vector<512x1xf32>
    %get3A_148 = arith.constant 4096 : index
    %get3A_149 = arith.constant 0 : index
    %get3A_150 = vector.load %arg2[%get3A_148, %get3A_149] : memref<8192x64xf32, #tpu.memory_space<vmem>>, vector<1024x64xf32>
    %mul3A_151 = arith.mulf %get3A_150, %get3A_150 : vector<1024x64xf32>
    %reduce_sum3A_152 = arith.constant dense<0.000000e+00> : vector<1024xf32>
    %reduce_sum3A_153 = vector.multi_reduction <add>, %mul3A_151, %reduce_sum3A_152 [1] : vector<1024x64xf32> to vector<1024xf32>
    %dot_general3A_154 = arith.constant dense<0.000000e+00> : vector<512x1024xf32>
    %dot_general3A_155 = tpu.matmul %get3A_1, %get3A_150, %dot_general3A_154 {dimension_numbers = #tpu.dot_dimension_numbers<[1], [1], [0], [0], [0, 0, 1, 0], [], []>, transpose_lhs_hint = false} : vector<512x64xf32>, vector<1024x64xf32>, vector<512x1024xf32> -> vector<512x1024xf32>
    %mul3A_156 = arith.constant 2.000000e+00 : f32
    %mul3A_157 = vector.broadcast %mul3A_156 : f32 to vector<512x1024xf32>
    %mul3A_158 = arith.mulf %mul3A_157, %dot_general3A_155 : vector<512x1024xf32>
    %sub3A_159 = vector.broadcast %broadcast_in_dim3A : vector<512x1xf32> to vector<512x1024xf32>
    %sub3A_160 = arith.subf %sub3A_159, %mul3A_158 : vector<512x1024xf32>
    %broadcast_in_dim3A_161 = vector.shape_cast %reduce_sum3A_153 : vector<1024xf32> to vector<1x1024xf32>
    %add3A_162 = vector.broadcast %broadcast_in_dim3A_161 : vector<1x1024xf32> to vector<512x1024xf32>
    %add3A_163 = arith.addf %sub3A_160, %add3A_162 : vector<512x1024xf32>
    %max3A_164 = arith.constant 0.000000e+00 : f32
    %max3A_165 = vector.broadcast %max3A_164 : f32 to vector<512x1024xf32>
    %max3A_166 = arith.maximumf %add3A_163, %max3A_165 : vector<512x1024xf32>
    %sqrt3A_167 = math.sqrt %max3A_166 : vector<512x1024xf32>
    %reduce_min3A_168 = arith.constant dense<0x7F800000> : vector<512xf32>
    %reduce_min3A_169 = vector.multi_reduction <minimumf>, %sqrt3A_167, %reduce_min3A_168 [1] : vector<512x1024xf32> to vector<512xf32>
    %broadcast_in_dim3A_170 = vector.shape_cast %reduce_min3A_169 : vector<512xf32> to vector<512x1xf32>
    %iota3A_171 = tpu.iota {dimensions = array<i32: 1>} : vector<512x1024xi32>
    %eq3A_172 = vector.broadcast %broadcast_in_dim3A_170 : vector<512x1xf32> to vector<512x1024xf32>
    %eq3A_173 = arith.cmpf oeq, %sqrt3A_167, %eq3A_172 : vector<512x1024xf32>
    %jit3A_174 = arith.constant 8192 : i32
    %broadcast_in_dim3A_175 = vector.broadcast %jit3A_174 : i32 to vector<512x1024xi32>
    %select_n3A_176 = arith.select %eq3A_173, %iota3A_171, %broadcast_in_dim3A_175 : vector<512x1024xi1>, vector<512x1024xi32>
    %reduce_min3A_177 = arith.constant dense<2147483647> : vector<512xi32>
    %reduce_min3A_178 = vector.multi_reduction <minsi>, %select_n3A_176, %reduce_min3A_177 [1] : vector<512x1024xi32> to vector<512xi32>
    %broadcast_in_dim3A_179 = vector.shape_cast %reduce_min3A_178 : vector<512xi32> to vector<512x1xi32>
    %add3A_180 = arith.constant 4096 : i32
    %add3A_181 = vector.broadcast %add3A_180 : i32 to vector<512x1xi32>
    %add3A_182 = arith.addi %broadcast_in_dim3A_179, %add3A_181 : vector<512x1xi32>
    %lt3A_183 = arith.cmpf olt, %broadcast_in_dim3A_170, %select_n3A_147 : vector<512x1xf32>
    %select_n3A_184 = arith.select %lt3A_183, %add3A_182, %select_n3A_146 : vector<512x1xi1>, vector<512x1xi32>
    %select_n3A_185 = arith.select %lt3A_183, %broadcast_in_dim3A_170, %select_n3A_147 : vector<512x1xi1>, vector<512x1xf32>
    %get3A_186 = arith.constant 5120 : index
    %get3A_187 = arith.constant 0 : index
    %get3A_188 = vector.load %arg2[%get3A_186, %get3A_187] : memref<8192x64xf32, #tpu.memory_space<vmem>>, vector<1024x64xf32>
    %mul3A_189 = arith.mulf %get3A_188, %get3A_188 : vector<1024x64xf32>
    %reduce_sum3A_190 = arith.constant dense<0.000000e+00> : vector<1024xf32>
    %reduce_sum3A_191 = vector.multi_reduction <add>, %mul3A_189, %reduce_sum3A_190 [1] : vector<1024x64xf32> to vector<1024xf32>
    %dot_general3A_192 = arith.constant dense<0.000000e+00> : vector<512x1024xf32>
    %dot_general3A_193 = tpu.matmul %get3A_1, %get3A_188, %dot_general3A_192 {dimension_numbers = #tpu.dot_dimension_numbers<[1], [1], [0], [0], [0, 0, 1, 0], [], []>, transpose_lhs_hint = false} : vector<512x64xf32>, vector<1024x64xf32>, vector<512x1024xf32> -> vector<512x1024xf32>
    %mul3A_194 = arith.constant 2.000000e+00 : f32
    %mul3A_195 = vector.broadcast %mul3A_194 : f32 to vector<512x1024xf32>
    %mul3A_196 = arith.mulf %mul3A_195, %dot_general3A_193 : vector<512x1024xf32>
    %sub3A_197 = vector.broadcast %broadcast_in_dim3A : vector<512x1xf32> to vector<512x1024xf32>
    %sub3A_198 = arith.subf %sub3A_197, %mul3A_196 : vector<512x1024xf32>
    %broadcast_in_dim3A_199 = vector.shape_cast %reduce_sum3A_191 : vector<1024xf32> to vector<1x1024xf32>
    %add3A_200 = vector.broadcast %broadcast_in_dim3A_199 : vector<1x1024xf32> to vector<512x1024xf32>
    %add3A_201 = arith.addf %sub3A_198, %add3A_200 : vector<512x1024xf32>
    %max3A_202 = arith.constant 0.000000e+00 : f32
    %max3A_203 = vector.broadcast %max3A_202 : f32 to vector<512x1024xf32>
    %max3A_204 = arith.maximumf %add3A_201, %max3A_203 : vector<512x1024xf32>
    %sqrt3A_205 = math.sqrt %max3A_204 : vector<512x1024xf32>
    %reduce_min3A_206 = arith.constant dense<0x7F800000> : vector<512xf32>
    %reduce_min3A_207 = vector.multi_reduction <minimumf>, %sqrt3A_205, %reduce_min3A_206 [1] : vector<512x1024xf32> to vector<512xf32>
    %broadcast_in_dim3A_208 = vector.shape_cast %reduce_min3A_207 : vector<512xf32> to vector<512x1xf32>
    %iota3A_209 = tpu.iota {dimensions = array<i32: 1>} : vector<512x1024xi32>
    %eq3A_210 = vector.broadcast %broadcast_in_dim3A_208 : vector<512x1xf32> to vector<512x1024xf32>
    %eq3A_211 = arith.cmpf oeq, %sqrt3A_205, %eq3A_210 : vector<512x1024xf32>
    %jit3A_212 = arith.constant 8192 : i32
    %broadcast_in_dim3A_213 = vector.broadcast %jit3A_212 : i32 to vector<512x1024xi32>
    %select_n3A_214 = arith.select %eq3A_211, %iota3A_209, %broadcast_in_dim3A_213 : vector<512x1024xi1>, vector<512x1024xi32>
    %reduce_min3A_215 = arith.constant dense<2147483647> : vector<512xi32>
    %reduce_min3A_216 = vector.multi_reduction <minsi>, %select_n3A_214, %reduce_min3A_215 [1] : vector<512x1024xi32> to vector<512xi32>
    %broadcast_in_dim3A_217 = vector.shape_cast %reduce_min3A_216 : vector<512xi32> to vector<512x1xi32>
    %add3A_218 = arith.constant 5120 : i32
    %add3A_219 = vector.broadcast %add3A_218 : i32 to vector<512x1xi32>
    %add3A_220 = arith.addi %broadcast_in_dim3A_217, %add3A_219 : vector<512x1xi32>
    %lt3A_221 = arith.cmpf olt, %broadcast_in_dim3A_208, %select_n3A_185 : vector<512x1xf32>
    %select_n3A_222 = arith.select %lt3A_221, %add3A_220, %select_n3A_184 : vector<512x1xi1>, vector<512x1xi32>
    %select_n3A_223 = arith.select %lt3A_221, %broadcast_in_dim3A_208, %select_n3A_185 : vector<512x1xi1>, vector<512x1xf32>
    %get3A_224 = arith.constant 6144 : index
    %get3A_225 = arith.constant 0 : index
    %get3A_226 = vector.load %arg2[%get3A_224, %get3A_225] : memref<8192x64xf32, #tpu.memory_space<vmem>>, vector<1024x64xf32>
    %mul3A_227 = arith.mulf %get3A_226, %get3A_226 : vector<1024x64xf32>
    %reduce_sum3A_228 = arith.constant dense<0.000000e+00> : vector<1024xf32>
    %reduce_sum3A_229 = vector.multi_reduction <add>, %mul3A_227, %reduce_sum3A_228 [1] : vector<1024x64xf32> to vector<1024xf32>
    %dot_general3A_230 = arith.constant dense<0.000000e+00> : vector<512x1024xf32>
    %dot_general3A_231 = tpu.matmul %get3A_1, %get3A_226, %dot_general3A_230 {dimension_numbers = #tpu.dot_dimension_numbers<[1], [1], [0], [0], [0, 0, 1, 0], [], []>, transpose_lhs_hint = false} : vector<512x64xf32>, vector<1024x64xf32>, vector<512x1024xf32> -> vector<512x1024xf32>
    %mul3A_232 = arith.constant 2.000000e+00 : f32
    %mul3A_233 = vector.broadcast %mul3A_232 : f32 to vector<512x1024xf32>
    %mul3A_234 = arith.mulf %mul3A_233, %dot_general3A_231 : vector<512x1024xf32>
    %sub3A_235 = vector.broadcast %broadcast_in_dim3A : vector<512x1xf32> to vector<512x1024xf32>
    %sub3A_236 = arith.subf %sub3A_235, %mul3A_234 : vector<512x1024xf32>
    %broadcast_in_dim3A_237 = vector.shape_cast %reduce_sum3A_229 : vector<1024xf32> to vector<1x1024xf32>
    %add3A_238 = vector.broadcast %broadcast_in_dim3A_237 : vector<1x1024xf32> to vector<512x1024xf32>
    %add3A_239 = arith.addf %sub3A_236, %add3A_238 : vector<512x1024xf32>
    %max3A_240 = arith.constant 0.000000e+00 : f32
    %max3A_241 = vector.broadcast %max3A_240 : f32 to vector<512x1024xf32>
    %max3A_242 = arith.maximumf %add3A_239, %max3A_241 : vector<512x1024xf32>
    %sqrt3A_243 = math.sqrt %max3A_242 : vector<512x1024xf32>
    %reduce_min3A_244 = arith.constant dense<0x7F800000> : vector<512xf32>
    %reduce_min3A_245 = vector.multi_reduction <minimumf>, %sqrt3A_243, %reduce_min3A_244 [1] : vector<512x1024xf32> to vector<512xf32>
    %broadcast_in_dim3A_246 = vector.shape_cast %reduce_min3A_245 : vector<512xf32> to vector<512x1xf32>
    %iota3A_247 = tpu.iota {dimensions = array<i32: 1>} : vector<512x1024xi32>
    %eq3A_248 = vector.broadcast %broadcast_in_dim3A_246 : vector<512x1xf32> to vector<512x1024xf32>
    %eq3A_249 = arith.cmpf oeq, %sqrt3A_243, %eq3A_248 : vector<512x1024xf32>
    %jit3A_250 = arith.constant 8192 : i32
    %broadcast_in_dim3A_251 = vector.broadcast %jit3A_250 : i32 to vector<512x1024xi32>
    %select_n3A_252 = arith.select %eq3A_249, %iota3A_247, %broadcast_in_dim3A_251 : vector<512x1024xi1>, vector<512x1024xi32>
    %reduce_min3A_253 = arith.constant dense<2147483647> : vector<512xi32>
    %reduce_min3A_254 = vector.multi_reduction <minsi>, %select_n3A_252, %reduce_min3A_253 [1] : vector<512x1024xi32> to vector<512xi32>
    %broadcast_in_dim3A_255 = vector.shape_cast %reduce_min3A_254 : vector<512xi32> to vector<512x1xi32>
    %add3A_256 = arith.constant 6144 : i32
    %add3A_257 = vector.broadcast %add3A_256 : i32 to vector<512x1xi32>
    %add3A_258 = arith.addi %broadcast_in_dim3A_255, %add3A_257 : vector<512x1xi32>
    %lt3A_259 = arith.cmpf olt, %broadcast_in_dim3A_246, %select_n3A_223 : vector<512x1xf32>
    %select_n3A_260 = arith.select %lt3A_259, %add3A_258, %select_n3A_222 : vector<512x1xi1>, vector<512x1xi32>
    %select_n3A_261 = arith.select %lt3A_259, %broadcast_in_dim3A_246, %select_n3A_223 : vector<512x1xi1>, vector<512x1xf32>
    %get3A_262 = arith.constant 7168 : index
    %get3A_263 = arith.constant 0 : index
    %get3A_264 = vector.load %arg2[%get3A_262, %get3A_263] : memref<8192x64xf32, #tpu.memory_space<vmem>>, vector<1024x64xf32>
    %mul3A_265 = arith.mulf %get3A_264, %get3A_264 : vector<1024x64xf32>
    %reduce_sum3A_266 = arith.constant dense<0.000000e+00> : vector<1024xf32>
    %reduce_sum3A_267 = vector.multi_reduction <add>, %mul3A_265, %reduce_sum3A_266 [1] : vector<1024x64xf32> to vector<1024xf32>
    %dot_general3A_268 = arith.constant dense<0.000000e+00> : vector<512x1024xf32>
    %dot_general3A_269 = tpu.matmul %get3A_1, %get3A_264, %dot_general3A_268 {dimension_numbers = #tpu.dot_dimension_numbers<[1], [1], [0], [0], [0, 0, 1, 0], [], []>, transpose_lhs_hint = false} : vector<512x64xf32>, vector<1024x64xf32>, vector<512x1024xf32> -> vector<512x1024xf32>
    %mul3A_270 = arith.constant 2.000000e+00 : f32
    %mul3A_271 = vector.broadcast %mul3A_270 : f32 to vector<512x1024xf32>
    %mul3A_272 = arith.mulf %mul3A_271, %dot_general3A_269 : vector<512x1024xf32>
    %sub3A_273 = vector.broadcast %broadcast_in_dim3A : vector<512x1xf32> to vector<512x1024xf32>
    %sub3A_274 = arith.subf %sub3A_273, %mul3A_272 : vector<512x1024xf32>
    %broadcast_in_dim3A_275 = vector.shape_cast %reduce_sum3A_267 : vector<1024xf32> to vector<1x1024xf32>
    %add3A_276 = vector.broadcast %broadcast_in_dim3A_275 : vector<1x1024xf32> to vector<512x1024xf32>
    %add3A_277 = arith.addf %sub3A_274, %add3A_276 : vector<512x1024xf32>
    %max3A_278 = arith.constant 0.000000e+00 : f32
    %max3A_279 = vector.broadcast %max3A_278 : f32 to vector<512x1024xf32>
    %max3A_280 = arith.maximumf %add3A_277, %max3A_279 : vector<512x1024xf32>
    %sqrt3A_281 = math.sqrt %max3A_280 : vector<512x1024xf32>
    %reduce_min3A_282 = arith.constant dense<0x7F800000> : vector<512xf32>
    %reduce_min3A_283 = vector.multi_reduction <minimumf>, %sqrt3A_281, %reduce_min3A_282 [1] : vector<512x1024xf32> to vector<512xf32>
    %broadcast_in_dim3A_284 = vector.shape_cast %reduce_min3A_283 : vector<512xf32> to vector<512x1xf32>
    %iota3A_285 = tpu.iota {dimensions = array<i32: 1>} : vector<512x1024xi32>
    %eq3A_286 = vector.broadcast %broadcast_in_dim3A_284 : vector<512x1xf32> to vector<512x1024xf32>
    %eq3A_287 = arith.cmpf oeq, %sqrt3A_281, %eq3A_286 : vector<512x1024xf32>
    %jit3A_288 = arith.constant 8192 : i32
    %broadcast_in_dim3A_289 = vector.broadcast %jit3A_288 : i32 to vector<512x1024xi32>
    %select_n3A_290 = arith.select %eq3A_287, %iota3A_285, %broadcast_in_dim3A_289 : vector<512x1024xi1>, vector<512x1024xi32>
    %reduce_min3A_291 = arith.constant dense<2147483647> : vector<512xi32>
    %reduce_min3A_292 = vector.multi_reduction <minsi>, %select_n3A_290, %reduce_min3A_291 [1] : vector<512x1024xi32> to vector<512xi32>
    %broadcast_in_dim3A_293 = vector.shape_cast %reduce_min3A_292 : vector<512xi32> to vector<512x1xi32>
    %add3A_294 = arith.constant 7168 : i32
    %add3A_295 = vector.broadcast %add3A_294 : i32 to vector<512x1xi32>
    %add3A_296 = arith.addi %broadcast_in_dim3A_293, %add3A_295 : vector<512x1xi32>
    %lt3A_297 = arith.cmpf olt, %broadcast_in_dim3A_284, %select_n3A_261 : vector<512x1xf32>
    %select_n3A_298 = arith.select %lt3A_297, %add3A_296, %select_n3A_260 : vector<512x1xi1>, vector<512x1xi32>
    %select_n3A_299 = arith.select %lt3A_297, %broadcast_in_dim3A_284, %select_n3A_261 : vector<512x1xi1>, vector<512x1xf32>
    %swap3A = arith.constant 0 : index
    %swap3A_300 = arith.constant 0 : index
    %swap3A_301 = vector.load %arg3[%swap3A, %swap3A_300] : memref<512x1xi32, #tpu.memory_space<vmem>>, vector<512x1xi32>
    tpu.vector_store %arg3[%swap3A, %swap3A_300], %select_n3A_298 {strides = array<i32>} : memref<512x1xi32, #tpu.memory_space<vmem>>, vector<512x1xi32>,
    %swap3A_302 = arith.constant 0 : index
    %swap3A_303 = arith.constant 0 : index
    %swap3A_304 = vector.load %arg4[%swap3A_302, %swap3A_303] : memref<512x1xf32, #tpu.memory_space<vmem>>, vector<512x1xf32>
    tpu.vector_store %arg4[%swap3A_302, %swap3A_303], %select_n3A_299 {strides = array<i32>} : memref<512x1xf32, #tpu.memory_space<vmem>>, vector<512x1xf32>,
    return
  }
  func.func @transform_0(%arg0: i32) -> (i32, i32) {
    %c0_i32 = arith.constant 0 : i32
    %c0_i32_0 = arith.constant 0 : i32
    return %arg0, %c0_i32 : i32, i32
  }
  func.func @transform_1(%arg0: i32) -> (i32, i32) {
    %c0_i32 = arith.constant 0 : i32
    %c0_i32_0 = arith.constant 0 : i32
    %c0_i32_1 = arith.constant 0 : i32
    return %c0_i32, %c0_i32_0 : i32, i32
  }
  func.func @transform_2(%arg0: i32) -> (i32, i32) {
    %c0_i32 = arith.constant 0 : i32
    %c0_i32_0 = arith.constant 0 : i32
    return %arg0, %c0_i32 : i32, i32
  }
  func.func @transform_3(%arg0: i32) -> (i32, i32) {
    %c0_i32 = arith.constant 0 : i32
    %c0_i32_0 = arith.constant 0 : i32
    return %arg0, %c0_i32 : i32, i32
  }
}

module attributes {stable_mosaic.version = 14 : i64} {
  func.func @_encoder_body(%arg0: i32, %arg1: memref<512x128xf32, #tpu.memory_space<vmem>>, %arg2: memref<128x512xf32, #tpu.memory_space<vmem>>, %arg3: memref<1x512xf32, #tpu.memory_space<vmem>>, %arg4: memref<512x512xf32, #tpu.memory_space<vmem>>, %arg5: memref<1x512xf32, #tpu.memory_space<vmem>>, %arg6: memref<512x64xf32, #tpu.memory_space<vmem>>, %arg7: memref<1x64xf32, #tpu.memory_space<vmem>>, %arg8: memref<512x64xf32, #tpu.memory_space<vmem>>) attributes {dimension_semantics = [#tpu.dimension_semantics<arbitrary>], iteration_bounds = array<i64: 32>, scalar_prefetch = 0 : i64, scratch_operands = 0 : i64, tpu.core_type = #tpu.core_type<tc>, window_params = [{transform_indices = @transform_0, window_bounds = array<i64: 512, 128>}, {pipeline_mode = #tpu.pipeline_mode<synchronous>, transform_indices = @transform_1, window_bounds = array<i64: 128, 512>}, {pipeline_mode = #tpu.pipeline_mode<synchronous>, transform_indices = @transform_2, window_bounds = array<i64: 1, 512>}, {pipeline_mode = #tpu.pipeline_mode<synchronous>, transform_indices = @transform_3, window_bounds = array<i64: 512, 512>}, {pipeline_mode = #tpu.pipeline_mode<synchronous>, transform_indices = @transform_4, window_bounds = array<i64: 1, 512>}, {pipeline_mode = #tpu.pipeline_mode<synchronous>, transform_indices = @transform_5, window_bounds = array<i64: 512, 64>}, {pipeline_mode = #tpu.pipeline_mode<synchronous>, transform_indices = @transform_6, window_bounds = array<i64: 1, 64>}, {transform_indices = @transform_7, window_bounds = array<i64: 512, 64>}]} {
    %get3A = arith.constant 0 : index
    %get3A_0 = arith.constant 0 : index
    %get3A_1 = vector.load %arg1[%get3A, %get3A_0] : memref<512x128xf32, #tpu.memory_space<vmem>>, vector<512x128xf32>
    %get3A_2 = arith.constant 0 : index
    %get3A_3 = arith.constant 0 : index
    %get3A_4 = vector.load %arg2[%get3A_2, %get3A_3] : memref<128x512xf32, #tpu.memory_space<vmem>>, vector<128x512xf32>
    %dot_general3A = arith.constant dense<0.000000e+00> : vector<512x512xf32>
    %dot_general3A_5 = tpu.matmul %get3A_1, %get3A_4, %dot_general3A {dimension_numbers = #tpu.dot_dimension_numbers<[1], [0], [0], [1], [0, 0, 1, 1], [], []>, transpose_lhs_hint = false} : vector<512x128xf32>, vector<128x512xf32>, vector<512x512xf32> -> vector<512x512xf32>
    %get3A_6 = arith.constant 0 : index
    %get3A_7 = arith.constant 0 : index
    %get3A_8 = vector.load %arg3[%get3A_6, %get3A_7] : memref<1x512xf32, #tpu.memory_space<vmem>>, vector<1x512xf32>
    %add3A = vector.broadcast %get3A_8 : vector<1x512xf32> to vector<512x512xf32>
    %add3A_9 = arith.addf %dot_general3A_5, %add3A : vector<512x512xf32>
    %max3A = arith.constant 0.000000e+00 : f32
    %max3A_10 = vector.broadcast %max3A : f32 to vector<512x512xf32>
    %max3A_11 = arith.maximumf %add3A_9, %max3A_10 : vector<512x512xf32>
    %get3A_12 = arith.constant 0 : index
    %get3A_13 = arith.constant 0 : index
    %get3A_14 = vector.load %arg4[%get3A_12, %get3A_13] : memref<512x512xf32, #tpu.memory_space<vmem>>, vector<512x512xf32>
    %dot_general3A_15 = arith.constant dense<0.000000e+00> : vector<512x512xf32>
    %dot_general3A_16 = tpu.matmul %max3A_11, %get3A_14, %dot_general3A_15 {dimension_numbers = #tpu.dot_dimension_numbers<[1], [0], [0], [1], [0, 0, 1, 1], [], []>, transpose_lhs_hint = false} : vector<512x512xf32>, vector<512x512xf32>, vector<512x512xf32> -> vector<512x512xf32>
    %get3A_17 = arith.constant 0 : index
    %get3A_18 = arith.constant 0 : index
    %get3A_19 = vector.load %arg5[%get3A_17, %get3A_18] : memref<1x512xf32, #tpu.memory_space<vmem>>, vector<1x512xf32>
    %add3A_20 = vector.broadcast %get3A_19 : vector<1x512xf32> to vector<512x512xf32>
    %add3A_21 = arith.addf %dot_general3A_16, %add3A_20 : vector<512x512xf32>
    %max3A_22 = arith.constant 0.000000e+00 : f32
    %max3A_23 = vector.broadcast %max3A_22 : f32 to vector<512x512xf32>
    %max3A_24 = arith.maximumf %add3A_21, %max3A_23 : vector<512x512xf32>
    %get3A_25 = arith.constant 0 : index
    %get3A_26 = arith.constant 0 : index
    %get3A_27 = vector.load %arg6[%get3A_25, %get3A_26] : memref<512x64xf32, #tpu.memory_space<vmem>>, vector<512x64xf32>
    %dot_general3A_28 = arith.constant dense<0.000000e+00> : vector<512x64xf32>
    %dot_general3A_29 = tpu.matmul %max3A_24, %get3A_27, %dot_general3A_28 {dimension_numbers = #tpu.dot_dimension_numbers<[1], [0], [0], [1], [0, 0, 1, 1], [], []>, transpose_lhs_hint = false} : vector<512x512xf32>, vector<512x64xf32>, vector<512x64xf32> -> vector<512x64xf32>
    %get3A_30 = arith.constant 0 : index
    %get3A_31 = arith.constant 0 : index
    %get3A_32 = vector.load %arg7[%get3A_30, %get3A_31] : memref<1x64xf32, #tpu.memory_space<vmem>>, vector<1x64xf32>
    %add3A_33 = vector.broadcast %get3A_32 : vector<1x64xf32> to vector<512x64xf32>
    %add3A_34 = arith.addf %dot_general3A_29, %add3A_33 : vector<512x64xf32>
    %swap3A = arith.constant 0 : index
    %swap3A_35 = arith.constant 0 : index
    %swap3A_36 = vector.load %arg8[%swap3A, %swap3A_35] : memref<512x64xf32, #tpu.memory_space<vmem>>, vector<512x64xf32>
    tpu.vector_store %arg8[%swap3A, %swap3A_35], %add3A_34 {strides = array<i32>} : memref<512x64xf32, #tpu.memory_space<vmem>>, vector<512x64xf32>,
    return
  }
  func.func @transform_0(%arg0: i32) -> (i32, i32) {
    %c0_i32 = arith.constant 0 : i32
    %c0_i32_0 = arith.constant 0 : i32
    return %arg0, %c0_i32 : i32, i32
  }
  func.func @transform_1(%arg0: i32) -> (i32, i32) {
    %c0_i32 = arith.constant 0 : i32
    %c0_i32_0 = arith.constant 0 : i32
    %c0_i32_1 = arith.constant 0 : i32
    return %c0_i32, %c0_i32_0 : i32, i32
  }
  func.func @transform_2(%arg0: i32) -> (i32, i32) {
    %c0_i32 = arith.constant 0 : i32
    %c0_i32_0 = arith.constant 0 : i32
    %c0_i32_1 = arith.constant 0 : i32
    return %c0_i32, %c0_i32_0 : i32, i32
  }
  func.func @transform_3(%arg0: i32) -> (i32, i32) {
    %c0_i32 = arith.constant 0 : i32
    %c0_i32_0 = arith.constant 0 : i32
    %c0_i32_1 = arith.constant 0 : i32
    return %c0_i32, %c0_i32_0 : i32, i32
  }
  func.func @transform_4(%arg0: i32) -> (i32, i32) {
    %c0_i32 = arith.constant 0 : i32
    %c0_i32_0 = arith.constant 0 : i32
    %c0_i32_1 = arith.constant 0 : i32
    return %c0_i32, %c0_i32_0 : i32, i32
  }
  func.func @transform_5(%arg0: i32) -> (i32, i32) {
    %c0_i32 = arith.constant 0 : i32
    %c0_i32_0 = arith.constant 0 : i32
    %c0_i32_1 = arith.constant 0 : i32
    return %c0_i32, %c0_i32_0 : i32, i32
  }
  func.func @transform_6(%arg0: i32) -> (i32, i32) {
    %c0_i32 = arith.constant 0 : i32
    %c0_i32_0 = arith.constant 0 : i32
    %c0_i32_1 = arith.constant 0 : i32
    return %c0_i32, %c0_i32_0 : i32, i32
  }
  func.func @transform_7(%arg0: i32) -> (i32, i32) {
    %c0_i32 = arith.constant 0 : i32
    %c0_i32_0 = arith.constant 0 : i32
    return %arg0, %c0_i32 : i32, i32
  }
}

module attributes {stable_mosaic.version = 14 : i64} {
  func.func @_dectable_body(%arg0: i32, %arg1: memref<2048x64xf32, #tpu.memory_space<vmem>>, %arg2: memref<64x512xf32, #tpu.memory_space<vmem>>, %arg3: memref<1x512xf32, #tpu.memory_space<vmem>>, %arg4: memref<512x128xf32, #tpu.memory_space<vmem>>, %arg5: memref<1x128xf32, #tpu.memory_space<vmem>>, %arg6: memref<2048x128xf32, #tpu.memory_space<vmem>>) attributes {dimension_semantics = [#tpu.dimension_semantics<arbitrary>], iteration_bounds = array<i64: 4>, scalar_prefetch = 0 : i64, scratch_operands = 0 : i64, tpu.core_type = #tpu.core_type<tc>, window_params = [{transform_indices = @transform_0, window_bounds = array<i64: 2048, 64>}, {pipeline_mode = #tpu.pipeline_mode<synchronous>, transform_indices = @transform_1, window_bounds = array<i64: 64, 512>}, {pipeline_mode = #tpu.pipeline_mode<synchronous>, transform_indices = @transform_2, window_bounds = array<i64: 1, 512>}, {pipeline_mode = #tpu.pipeline_mode<synchronous>, transform_indices = @transform_3, window_bounds = array<i64: 512, 128>}, {pipeline_mode = #tpu.pipeline_mode<synchronous>, transform_indices = @transform_4, window_bounds = array<i64: 1, 128>}, {transform_indices = @transform_5, window_bounds = array<i64: 2048, 128>}]} {
    %get3A = arith.constant 0 : index
    %get3A_0 = arith.constant 0 : index
    %get3A_1 = vector.load %arg1[%get3A, %get3A_0] : memref<2048x64xf32, #tpu.memory_space<vmem>>, vector<2048x64xf32>
    %get3A_2 = arith.constant 0 : index
    %get3A_3 = arith.constant 0 : index
    %get3A_4 = vector.load %arg2[%get3A_2, %get3A_3] : memref<64x512xf32, #tpu.memory_space<vmem>>, vector<64x512xf32>
    %dot_general3A = arith.constant dense<0.000000e+00> : vector<2048x512xf32>
    %dot_general3A_5 = tpu.matmul %get3A_1, %get3A_4, %dot_general3A {dimension_numbers = #tpu.dot_dimension_numbers<[1], [0], [0], [1], [0, 0, 1, 1], [], []>, transpose_lhs_hint = false} : vector<2048x64xf32>, vector<64x512xf32>, vector<2048x512xf32> -> vector<2048x512xf32>
    %get3A_6 = arith.constant 0 : index
    %get3A_7 = arith.constant 0 : index
    %get3A_8 = vector.load %arg3[%get3A_6, %get3A_7] : memref<1x512xf32, #tpu.memory_space<vmem>>, vector<1x512xf32>
    %add3A = vector.broadcast %get3A_8 : vector<1x512xf32> to vector<2048x512xf32>
    %add3A_9 = arith.addf %dot_general3A_5, %add3A : vector<2048x512xf32>
    %max3A = arith.constant 0.000000e+00 : f32
    %max3A_10 = vector.broadcast %max3A : f32 to vector<2048x512xf32>
    %max3A_11 = arith.maximumf %add3A_9, %max3A_10 : vector<2048x512xf32>
    %get3A_12 = arith.constant 0 : index
    %get3A_13 = arith.constant 0 : index
    %get3A_14 = vector.load %arg4[%get3A_12, %get3A_13] : memref<512x128xf32, #tpu.memory_space<vmem>>, vector<512x128xf32>
    %dot_general3A_15 = arith.constant dense<0.000000e+00> : vector<2048x128xf32>
    %dot_general3A_16 = tpu.matmul %max3A_11, %get3A_14, %dot_general3A_15 {dimension_numbers = #tpu.dot_dimension_numbers<[1], [0], [0], [1], [0, 0, 1, 1], [], []>, transpose_lhs_hint = false} : vector<2048x512xf32>, vector<512x128xf32>, vector<2048x128xf32> -> vector<2048x128xf32>
    %get3A_17 = arith.constant 0 : index
    %get3A_18 = arith.constant 0 : index
    %get3A_19 = vector.load %arg5[%get3A_17, %get3A_18] : memref<1x128xf32, #tpu.memory_space<vmem>>, vector<1x128xf32>
    %add3A_20 = vector.broadcast %get3A_19 : vector<1x128xf32> to vector<2048x128xf32>
    %add3A_21 = arith.addf %dot_general3A_16, %add3A_20 : vector<2048x128xf32>
    %swap3A = arith.constant 0 : index
    %swap3A_22 = arith.constant 0 : index
    %swap3A_23 = vector.load %arg6[%swap3A, %swap3A_22] : memref<2048x128xf32, #tpu.memory_space<vmem>>, vector<2048x128xf32>
    tpu.vector_store %arg6[%swap3A, %swap3A_22], %add3A_21 {strides = array<i32>} : memref<2048x128xf32, #tpu.memory_space<vmem>>, vector<2048x128xf32>,
    return
  }
  func.func @transform_0(%arg0: i32) -> (i32, i32) {
    %c0_i32 = arith.constant 0 : i32
    %c0_i32_0 = arith.constant 0 : i32
    return %arg0, %c0_i32 : i32, i32
  }
  func.func @transform_1(%arg0: i32) -> (i32, i32) {
    %c0_i32 = arith.constant 0 : i32
    %c0_i32_0 = arith.constant 0 : i32
    %c0_i32_1 = arith.constant 0 : i32
    return %c0_i32, %c0_i32_0 : i32, i32
  }
  func.func @transform_2(%arg0: i32) -> (i32, i32) {
    %c0_i32 = arith.constant 0 : i32
    %c0_i32_0 = arith.constant 0 : i32
    %c0_i32_1 = arith.constant 0 : i32
    return %c0_i32, %c0_i32_0 : i32, i32
  }
  func.func @transform_3(%arg0: i32) -> (i32, i32) {
    %c0_i32 = arith.constant 0 : i32
    %c0_i32_0 = arith.constant 0 : i32
    %c0_i32_1 = arith.constant 0 : i32
    return %c0_i32, %c0_i32_0 : i32, i32
  }
  func.func @transform_4(%arg0: i32) -> (i32, i32) {
    %c0_i32 = arith.constant 0 : i32
    %c0_i32_0 = arith.constant 0 : i32
    %c0_i32_1 = arith.constant 0 : i32
    return %c0_i32, %c0_i32_0 : i32, i32
  }
  func.func @transform_5(%arg0: i32) -> (i32, i32) {
    %c0_i32 = arith.constant 0 : i32
    %c0_i32_0 = arith.constant 0 : i32
    return %arg0, %c0_i32 : i32, i32
  }
}

module attributes {stable_mosaic.version = 14 : i64} {
  func.func @_onehot_body(%arg0: i32, %arg1: i32, %arg2: memref<512x1xi32, #tpu.memory_space<vmem>>, %arg3: memref<512x4096xf32, #tpu.memory_space<vmem>>, %arg4: memref<1x4096xf32, #tpu.memory_space<vmem>>) attributes {dimension_semantics = [#tpu.dimension_semantics<arbitrary>, #tpu.dimension_semantics<arbitrary>], iteration_bounds = array<i64: 2, 32>, scalar_prefetch = 0 : i64, scratch_operands = 0 : i64, tpu.core_type = #tpu.core_type<tc>, window_params = [{transform_indices = @transform_0, window_bounds = array<i64: 512, 1>}, {transform_indices = @transform_1, window_bounds = array<i64: 512, 4096>}, {transform_indices = @transform_2, window_bounds = array<i64: 1, 4096>}]} {
    %get3A = arith.constant 0 : index
    %get3A_0 = arith.constant 0 : index
    %get3A_1 = vector.load %arg2[%get3A, %get3A_0] : memref<512x1xi32, #tpu.memory_space<vmem>>, vector<512x1xi32>
    %iota3A = tpu.iota {dimensions = array<i32: 1>} : vector<512x4096xi32>
    %mul3A = arith.constant 4096 : i32
    %mul3A_2 = arith.muli %arg0, %mul3A : i32
    %add3A = vector.broadcast %mul3A_2 : i32 to vector<512x4096xi32>
    %add3A_3 = arith.addi %iota3A, %add3A : vector<512x4096xi32>
    %eq3A = vector.broadcast %get3A_1 : vector<512x1xi32> to vector<512x4096xi32>
    %eq3A_4 = arith.cmpi eq, %add3A_3, %eq3A : vector<512x4096xi32>
    %jit3A = arith.constant 1.000000e+00 : f32
    %jit3A_5 = arith.constant 0.000000e+00 : f32
    %broadcast_in_dim3A = vector.broadcast %jit3A : f32 to vector<512x4096xf32>
    %broadcast_in_dim3A_6 = vector.broadcast %jit3A_5 : f32 to vector<512x4096xf32>
    %select_n3A = arith.select %eq3A_4, %broadcast_in_dim3A, %broadcast_in_dim3A_6 : vector<512x4096xi1>, vector<512x4096xf32>
    %swap3A = arith.constant 0 : index
    %swap3A_7 = arith.constant 0 : index
    %swap3A_8 = vector.load %arg3[%swap3A, %swap3A_7] : memref<512x4096xf32, #tpu.memory_space<vmem>>, vector<512x4096xf32>
    tpu.vector_store %arg3[%swap3A, %swap3A_7], %select_n3A {strides = array<i32>} : memref<512x4096xf32, #tpu.memory_space<vmem>>, vector<512x4096xf32>,
    %eq3A_9 = arith.constant 0 : i32
    %eq3A_10 = arith.cmpi eq, %arg1, %eq3A_9 : i32
    %convert_element_type3A = arith.extui %eq3A_10 : i1 to i32
    %cond3A = arith.constant 0 : i32
    %cond3A_11 = arith.cmpi ne, %convert_element_type3A, %cond3A : i32
    scf.if %cond3A_11 {
      %broadcast_in_dim3A_21 = arith.constant 0.000000e+00 : f32
      %broadcast_in_dim3A_22 = vector.broadcast %broadcast_in_dim3A_21 : f32 to vector<1x4096xf32>
      %swap3A_23 = arith.constant 0 : index
      %swap3A_24 = arith.constant 0 : index
      %swap3A_25 = vector.load %arg4[%swap3A_23, %swap3A_24] : memref<1x4096xf32, #tpu.memory_space<vmem>>, vector<1x4096xf32>
      tpu.vector_store %arg4[%swap3A_23, %swap3A_24], %broadcast_in_dim3A_22 {strides = array<i32>} : memref<1x4096xf32, #tpu.memory_space<vmem>>, vector<1x4096xf32>,
    } else {
    }
    %get3A_12 = arith.constant 0 : index
    %get3A_13 = arith.constant 0 : index
    %get3A_14 = vector.load %arg4[%get3A_12, %get3A_13] : memref<1x4096xf32, #tpu.memory_space<vmem>>, vector<1x4096xf32>
    %reduce_sum3A = arith.constant dense<0.000000e+00> : vector<4096xf32>
    %reduce_sum3A_15 = vector.multi_reduction <add>, %select_n3A, %reduce_sum3A [0] : vector<512x4096xf32> to vector<4096xf32>
    %broadcast_in_dim3A_16 = vector.shape_cast %reduce_sum3A_15 : vector<4096xf32> to vector<1x4096xf32>
    %add3A_17 = arith.addf %get3A_14, %broadcast_in_dim3A_16 : vector<1x4096xf32>
    %swap3A_18 = arith.constant 0 : index
    %swap3A_19 = arith.constant 0 : index
    %swap3A_20 = vector.load %arg4[%swap3A_18, %swap3A_19] : memref<1x4096xf32, #tpu.memory_space<vmem>>, vector<1x4096xf32>
    tpu.vector_store %arg4[%swap3A_18, %swap3A_19], %add3A_17 {strides = array<i32>} : memref<1x4096xf32, #tpu.memory_space<vmem>>, vector<1x4096xf32>,
    return
  }
  func.func @transform_0(%arg0: i32, %arg1: i32) -> (i32, i32) {
    %c0_i32 = arith.constant 0 : i32
    %c0_i32_0 = arith.constant 0 : i32
    return %arg1, %c0_i32 : i32, i32
  }
  func.func @transform_1(%arg0: i32, %arg1: i32) -> (i32, i32) {
    %c0_i32 = arith.constant 0 : i32
    return %arg1, %arg0 : i32, i32
  }
  func.func @transform_2(%arg0: i32, %arg1: i32) -> (i32, i32) {
    %c0_i32 = arith.constant 0 : i32
    %c0_i32_0 = arith.constant 0 : i32
    return %c0_i32, %arg0 : i32, i32
  }
}

module attributes {stable_mosaic.version = 14 : i64} {
  func.func @_finalize_body(%arg0: i32, %arg1: memref<16384x1xf32, #tpu.memory_space<vmem>>, %arg2: memref<1x8192xf32, #tpu.memory_space<vmem>>, %arg3: memref<1x1xf32, #tpu.memory_space<vmem>>, %arg4: memref<1x1xf32, #tpu.memory_space<vmem>>) attributes {dimension_semantics = [#tpu.dimension_semantics<arbitrary>], iteration_bounds = array<i64: 1>, scalar_prefetch = 0 : i64, scratch_operands = 0 : i64, tpu.core_type = #tpu.core_type<tc>, window_params = [{pipeline_mode = #tpu.pipeline_mode<synchronous>, transform_indices = @transform_0, window_bounds = array<i64: 16384, 1>}, {pipeline_mode = #tpu.pipeline_mode<synchronous>, transform_indices = @transform_1, window_bounds = array<i64: 1, 8192>}, {pipeline_mode = #tpu.pipeline_mode<synchronous>, transform_indices = @transform_2, window_bounds = array<i64: 1, 1>}, {pipeline_mode = #tpu.pipeline_mode<synchronous>, transform_indices = @transform_3, window_bounds = array<i64: 1, 1>}]} {
    %get3A = arith.constant 0 : index
    %get3A_0 = arith.constant 0 : index
    %get3A_1 = vector.load %arg1[%get3A, %get3A_0] : memref<16384x1xf32, #tpu.memory_space<vmem>>, vector<16384x1xf32>
    %mul3A = arith.mulf %get3A_1, %get3A_1 : vector<16384x1xf32>
    %reduce_sum3A = vector.shape_cast %mul3A : vector<16384x1xf32> to vector<1x16384x1xf32>
    %reduce_sum3A_2 = arith.constant dense<0.000000e+00> : vector<1xf32>
    %reduce_sum3A_3 = vector.multi_reduction <add>, %reduce_sum3A, %reduce_sum3A_2 [1, 2] : vector<1x16384x1xf32> to vector<1xf32>
    %reduce_sum3A_4 = vector.shape_cast %reduce_sum3A_3 : vector<1xf32> to vector<1x1x1xf32>
    %reduce_sum3A_5 = vector.extract %reduce_sum3A_4[0, 0, 0] : f32 from vector<1x1x1xf32>
    %mul3A_6 = arith.constant 9.53674316E-7 : f32
    %mul3A_7 = arith.mulf %reduce_sum3A_5, %mul3A_6 : f32
    %mul3A_8 = arith.constant 2.500000e-01 : f32
    %mul3A_9 = arith.mulf %mul3A_8, %mul3A_7 : f32
    %add3A = arith.addf %mul3A_7, %mul3A_9 : f32
    %reshape3A = vector.broadcast %add3A : f32 to vector<1x1xf32>
    %swap3A = arith.constant 0 : index
    %swap3A_10 = arith.constant 0 : index
    %swap3A_11 = vector.load %arg3[%swap3A, %swap3A_10] : memref<1x1xf32, #tpu.memory_space<vmem>>, vector<1x1xf32>
    tpu.vector_store %arg3[%swap3A, %swap3A_10], %reshape3A {strides = array<i32>} : memref<1x1xf32, #tpu.memory_space<vmem>>, vector<1x1xf32>,
    %get3A_12 = arith.constant 0 : index
    %get3A_13 = arith.constant 0 : index
    %get3A_14 = vector.load %arg2[%get3A_12, %get3A_13] : memref<1x8192xf32, #tpu.memory_space<vmem>>, vector<1x8192xf32>
    %mul3A_15 = arith.constant 6.10351563E-5 : f32
    %mul3A_16 = vector.broadcast %mul3A_15 : f32 to vector<1x8192xf32>
    %mul3A_17 = arith.mulf %get3A_14, %mul3A_16 : vector<1x8192xf32>
    %add3A_18 = arith.constant 1.000000e-10 : f32
    %add3A_19 = vector.broadcast %add3A_18 : f32 to vector<1x8192xf32>
    %add3A_20 = arith.addf %mul3A_17, %add3A_19 : vector<1x8192xf32>
    %log3A = math.log %add3A_20 : vector<1x8192xf32>
    %mul3A_21 = arith.mulf %mul3A_17, %log3A : vector<1x8192xf32>
    %reduce_sum3A_22 = vector.shape_cast %mul3A_21 : vector<1x8192xf32> to vector<1x1x8192xf32>
    %reduce_sum3A_23 = arith.constant dense<0.000000e+00> : vector<1xf32>
    %reduce_sum3A_24 = vector.multi_reduction <add>, %reduce_sum3A_22, %reduce_sum3A_23 [1, 2] : vector<1x1x8192xf32> to vector<1xf32>
    %reduce_sum3A_25 = vector.shape_cast %reduce_sum3A_24 : vector<1xf32> to vector<1x1x1xf32>
    %reduce_sum3A_26 = vector.extract %reduce_sum3A_25[0, 0, 0] : f32 from vector<1x1x1xf32>
    %neg3A = arith.constant 0.000000e+00 : f32
    %neg3A_27 = arith.subf %neg3A, %reduce_sum3A_26 : f32
    %exp3A = math.exp %neg3A_27 : f32
    %reshape3A_28 = vector.broadcast %exp3A : f32 to vector<1x1xf32>
    %swap3A_29 = arith.constant 0 : index
    %swap3A_30 = arith.constant 0 : index
    %swap3A_31 = vector.load %arg4[%swap3A_29, %swap3A_30] : memref<1x1xf32, #tpu.memory_space<vmem>>, vector<1x1xf32>
    tpu.vector_store %arg4[%swap3A_29, %swap3A_30], %reshape3A_28 {strides = array<i32>} : memref<1x1xf32, #tpu.memory_space<vmem>>, vector<1x1xf32>,
    return
  }
  func.func @transform_0(%arg0: i32) -> (i32, i32) {
    %c0_i32 = arith.constant 0 : i32
    %c0_i32_0 = arith.constant 0 : i32
    %c0_i32_1 = arith.constant 0 : i32
    return %c0_i32, %c0_i32_0 : i32, i32
  }
  func.func @transform_1(%arg0: i32) -> (i32, i32) {
    %c0_i32 = arith.constant 0 : i32
    %c0_i32_0 = arith.constant 0 : i32
    %c0_i32_1 = arith.constant 0 : i32
    return %c0_i32, %c0_i32_0 : i32, i32
  }
  func.func @transform_2(%arg0: i32) -> (i32, i32) {
    %c0_i32 = arith.constant 0 : i32
    %c0_i32_0 = arith.constant 0 : i32
    %c0_i32_1 = arith.constant 0 : i32
    return %c0_i32, %c0_i32_0 : i32, i32
  }
  func.func @transform_3(%arg0: i32) -> (i32, i32) {
    %c0_i32 = arith.constant 0 : i32
    %c0_i32_0 = arith.constant 0 : i32
    %c0_i32_1 = arith.constant 0 : i32
    return %c0_i32, %c0_i32_0 : i32, i32
  }
}

</mosaic_0001>

<sc_bundles>
// kernel: kernel.8.cloned.1.call-start
scs
__scs_entry_jumppad:
0x0: {  	(pc) =	sbr.rel $0x88, $3  }
0x1: {  	(tag) =	ssettag $0x0;
	lr =	simm.s32 $0x1  }
0x2: {  	[smem:$0x3F95] =	sst lr;
	_ =	strace $0xD0000000  }
0x3: {  	_ = 	snop  }
0x4: {  	_ = 	snop  }
0x5: {  	_ = 	snop  }
0x6: {  	_ = 	snop  }
0x7: {  	_ = 	snop  }
__scs_overlays_trampoline_lowered:
0x8: {  	[smem:$0x3FA4] =	sst s0  }
0x9: {  	[smem:$0x3FA5] =	sst s1  }
0xa: {  	[smem:$0x3FA6] =	sst s2  }
0xb: {  	[smem:$0x3FA7] =	sst s3  }
0xc: {  	[smem:$0x3FA8] =	sst s4  }
0xd: {  	[smem:$0x3FA9] =	sst s5  }
0xe: {  	[smem:$0x3FAA] =	sst s6  }
0xf: {  	[smem:$0x3FAB] =	sst s7  }
0x10: {  	[smem:$0x3FAC] =	sst s8  }
0x11: {  	[smem:$0x3FAD] =	sst s9;
	s0 =	simm.s32 @!p0 $0x0  }
0x12: {  	s1 =	sld [smem:$0x3F93];
	s0 =	simm.s32 @p0 $0x1  }
0x13: {  	[smem:$0x3FAE] =	sst s0;
	s0 =	simm.s32 @!p1 $0x0  }
0x14: {  	s2 =	sld [smem:$0x3F92];
	s0 =	simm.s32 @p1 $0x1  }
0x15: {  	[smem:$0x3FAF] =	sst s0;
	s0 =	simm.s32 @!p2 $0x0  }
0x16: {  	s3 =	sld [smem:$0x3FDB];
	s0 =	simm.s32 @p2 $0x1  }
0x17: {  	s4 =	simm.s32 $0x1BF5;
	[smem:$0x3FB1] =	sst s0  }
0x18: {  	s0 =	sld [smem:$0x3F94];
	_ =	swait.ge [sflag:s4], $0x0  }
0x19: {  	s7 =	sld [smem:$0x3F95]  }
0x1a: {  	s8 =	sadd.s32 $0xFFFFE003, lr  }
0x1b: {  	s9 =	sadd.s32 $0xFFFFFEF7, lr;
	s5 =	simm.s32 $0xFFFFFFFF;
	p2 =	slt.u32 s8, $0xFFFFF086  }
0x1c: {  	p1 =	slt.u32 s9, $0xF7A;
	s5 =	simm.s32 @!p2 $0x0  }
0x1d: {  	s5 =	simm.s32 @p1 $0x1;
	p0 =	seq.s32 s7, s2  }
0x1e: {  	s7 =	smul.u32 @!p0 $0xF7A, s2;
	p2 =	seq.s32 @!p0 s5, $0x0  }
0x1f: {  	s9 =	smul.u32 $0xF7A, s1;
	s8 =	simm.s32 @!p0 $0x1BF5;
	p2 =	por !p2, p0  }
0x20: {  	[sflag:s8] =	ssyncset.s32 @!p0 $0xFFFFF086;
	s6 =	sadd.s32 @!p0 s3, s7;
	s7 =	simm.s32 @!p0 $0x108  }
0x21: {  	s3 =	sadd.s32 s3, s9;
	s6 =	sadd.s32 @!p0 $0x88, s6;
	s7 =	simm.s32 @p2 $0x1082  }
0x22: {  	[simem:s7], [sflag:s8] =	dma.local @!p0 [hbm:s6], $0xF7A  }
0x23: {  	s9 =	sor.u32 $0xD0000000, s2;
	s6 =	simm.s32 $0x108;
	_ =	swait.ge @!p0 [sflag:s8], $0x0  }
0x24: {  	s3 =	sadd.s32 $0x88, s3;
	s6 =	simm.s32 @!p1 $0x1082;
	[sflag:s4] =	ssyncset.s32 $0xFFFFF086  }
0x25: {  	[simem:s6], [sflag:s4] =	dma.local [hbm:s3], $0xF7A  }
0x26: {  	[smem:$0x3F95] =	sst s1;
	(tag) =	ssettag s2;
	_ =	strace s9  }
0x27: {  	s1 =	sld [smem:$0x3FA5]  }
0x28: {  	s2 =	sld [smem:$0x3FA6]  }
0x29: {  	s4 =	sld [smem:$0x3FA8]  }
0x2a: {  	p0 =	seq.s32 s5, $0x0;
	s5 =	sld [smem:$0x3FA9]  }
0x2b: {  	s6 =	sld [smem:$0x3FAA]  }
0x2c: {  	s7 =	sld [smem:$0x3FAB]  }
0x2d: {  	s3 =	simm.s32 $0x108;
	s8 =	sld [smem:$0x3FAC]  }
0x2e: {  	s3 =	simm.s32 @!p0 $0x1082;
	s9 =	sld [smem:$0x3FAD]  }
0x2f: {  	lr =	sadd.s32 s0, s3;
	s0 =	sld [smem:$0x3FA4]  }
0x30: {  	s3 =	sld [smem:$0x3FA7]  }
0x31: {  	[smem:$0x3FB0] =	sst s10  }
0x32: {  	s10 =	sld [smem:$0x3FAE];
	_ =	sdelay $0x3  }
0x33: {  	p0 =	seq.s32 s10, $0x1;
	s10 =	sld [smem:$0x3FB0];
	_ =	sdelay $0x3  }
0x34: {  	[smem:$0x3FB0] =	sst s10  }
0x35: {  	s10 =	sld [smem:$0x3FAF];
	_ =	sdelay $0x3  }
0x36: {  	p1 =	seq.s32 s10, $0x1;
	s10 =	sld [smem:$0x3FB0];
	_ =	sdelay $0x3  }
0x37: {  	[smem:$0x3FB0] =	sst s10  }
0x38: {  	s10 =	sld [smem:$0x3FB1]  }
0x39: {  	_ = 	snop;
	(pc) =	sbr.ind lr, $3  }
0x3a: {  	_ = 	snop  }
0x3b: {  	_ = 	snop  }
0x3c: {  	p2 =	seq.s32 s10, $0x1;
	s10 =	sld [smem:$0x3FB0]  }
0x3d: {  	_ =	shalt  }
0x3e: {  	_ =	shalt  }
0x3f: {  	_ =	shalt  }
0x40: {  	_ =	shalt  }
0x41: {  	_ =	shalt  }
0x42: {  	_ =	shalt  }
0x43: {  	_ =	shalt  }
0x44: {  	_ =	shalt  }
0x45: {  	_ =	shalt  }
0x46: {  	_ =	shalt  }
0x47: {  	_ =	shalt  }
0x48: {  	_ =	shalt  }
0x49: {  	_ =	shalt  }
0x4a: {  	_ =	shalt  }
0x4b: {  	_ =	shalt  }
0x4c: {  	_ =	shalt  }
0x4d: {  	_ =	shalt  }
0x4e: {  	_ =	shalt  }
0x4f: {  	_ =	shalt  }
0x50: {  	_ =	shalt  }
0x51: {  	_ =	shalt  }
0x52: {  	_ =	shalt  }
0x53: {  	_ =	shalt  }
0x54: {  	_ =	shalt  }
0x55: {  	_ =	shalt  }
0x56: {  	_ =	shalt  }
0x57: {  	_ =	shalt  }
0x58: {  	_ =	shalt  }
0x59: {  	_ =	shalt  }
0x5a: {  	_ =	shalt  }
0x5b: {  	_ =	shalt  }
0x5c: {  	_ =	shalt  }
0x5d: {  	_ =	shalt  }
0x5e: {  	_ =	shalt  }
0x5f: {  	_ =	shalt  }
0x60: {  	_ =	shalt  }
0x61: {  	_ =	shalt  }
0x62: {  	_ =	shalt  }
0x63: {  	_ =	shalt  }
0x64: {  	_ =	shalt  }
0x65: {  	_ =	shalt  }
0x66: {  	_ =	shalt  }
0x67: {  	_ =	shalt  }
0x68: {  	_ =	shalt  }
0x69: {  	_ =	shalt  }
0x6a: {  	_ =	shalt  }
0x6b: {  	_ =	shalt  }
0x6c: {  	_ =	shalt  }
0x6d: {  	_ =	shalt  }
0x6e: {  	_ =	shalt  }
0x6f: {  	_ =	shalt  }
0x70: {  	_ =	shalt  }
0x71: {  	_ =	shalt  }
0x72: {  	_ =	shalt  }
0x73: {  	_ =	shalt  }
0x74: {  	_ =	shalt  }
0x75: {  	_ =	shalt  }
0x76: {  	_ =	shalt  }
0x77: {  	_ =	shalt  }
0x78: {  	_ =	shalt  }
0x79: {  	_ =	shalt  }
0x7a: {  	_ =	shalt  }
0x7b: {  	_ =	shalt  }
0x7c: {  	_ =	shalt  }
0x7d: {  	_ =	shalt  }
0x7e: {  	_ =	shalt  }
0x7f: {  	_ =	shalt  }
0x80: {  	_ =	shalt  }
0x81: {  	_ =	shalt  }
0x82: {  	_ =	shalt  }
0x83: {  	_ =	shalt  }
0x84: {  	_ =	shalt  }
0x85: {  	_ =	shalt  }
0x86: {  	_ =	shalt  }
0x87: {  	_ =	shalt  }
.Lfunc_end0:
.L_simem_size_0:
called_computation_lowered:
.L_overlay_start_0:
0x88: {  	s2 =	sld [smem:$0x3FD9]  }
0x89: {  	s3 =	sld [smem:$0x3FFE];
	_ =	sdelay $0x1  }
0x8a: {  	s1 =	srdreg.scid  }
0x8b: {  	s0 =	sand.u32 $0x1, s1  }
0x8c: {  	s14 =	sshll.u32 s0, $0xA;
	s2 =	sadd.s32 s3, s2  }
0x8d: {  	s2 =	sadd.s32 s2, s14  }
0x8e: {  	[smem:$0x3FBC] =	sst s2  }
0x8f: {  	_ = 	snop  }
0x90: {  	s2 =	sld [smem:$0x3FD0];
	_ =	sdelay $0x2  }
0x91: {  	s15 =	simm.s32 $0xA;
	s4 =	simm.s32 $0x10  }
0x92: {  	[smem:s4], [sflag:s15] =	dma.local [hbm:s2], $0x1  }
0x93: {  	_ =	swait.eq [sflag:s15], $0x1  }
0x94: {  	[sflag:s15] =	ssyncset.done $0x0  }
0x95: {  	[sflag:s15] =	ssyncadd.s32 $0xFFFFFFFF  }
0x96: {  	s16 =	sld [smem:$0x10];
	(tm) =	ssettm $0x1  }
0x97: {  	s17 =	sld [smem:$0x3FFB];
	_ =	sdelay $0x3  }
0x98: {  	_ =	strace s17  }
0x99: {  	s3 =	sld [smem:$0x3FFC];
	_ =	sdelay $0x3  }
0x9a: {  	_ =	strace s3  }
0x9b: {  	s3 =	sld [smem:$0x3FFD];
	_ =	sdelay $0x3  }
0x9c: {  	_ =	strace s3  }
0x9d: {  	_ =	strace $0x8FFFFFFF  }
0x9e: {  	s18 =	sld [smem:$0x3FDB];
	_ =	sdelay $0x1  }
0x9f: {  	s19 =	simm.s32 $_scs_section_size  }
0xa0: {  	s5 =	simm.s32 $_size__tile_overlayer_lowered;
	s6 =	simm.s32 $_tile_overlayer_lowered  }
0xa1: {  	s22 =	simm.s32 $0x1BFF;
	s21 =	sshll.u32 s6, $0x1;
	s3 =	sadd.s32 s19, s18  }
0xa2: {  	s7 =	simm.s32 $0x0;
	s20 =	sshll.u32 s5, $0x1;
	s5 =	sadd.s32 s21, s3  }
0xa3: {  	[timem:s7], [sflag:s22] =	dma.local [hbm:s5], s20  }
0xa4: {  	_ =	swait.ge [sflag:s22], s20  }
0xa5: {  	s4 =	ssub.s32 $0x0, s20;
	[sflag:s22] =	ssyncset.done $0x0  }
0xa6: {  	[sflag:s22] =	ssyncadd.s32 s4;
	_ =	sdelay $0x1  }
0xa7: {  	s23 =	simm.s32 $0x1B8B  }
0xa8: {  	_ =	swait.ge [sflag:s23], $0x1  }
0xa9: {  	[sflag:s23] =	ssyncset.done $0x0  }
0xaa: {  	s25 =	simm.s32 $0x1B8E;
	s24 =	sld [smem:$0x3FFE];
	[sflag:s23] =	ssyncadd.s32 $0xFFFFFFFF  }
0xab: {  	s26 =	simm.s32 $execute0_lowered;
	[smem:$0x3FD2] =	sst s25  }
0xac: {  	s5 =	sshll.u32 s26, $0x1;
	_ =	strace $0x80000046;
	[dreg:$0x1] =	wrdreg $0xFFFFFFFF  }
0xad: {  	s28 =	simm.s32 $_size_execute0_lowered;
	s3 =	sadd.s32 s3, s5;
	[dreg:$0x0] =	wrdreg $0x0  }
0xae: {  	s5 =	sshll.u32 s28, $0x1;
	[dreg:$0x2] =	wrdreg s3  }
0xaf: {  	[dreg:$0x3] =	wrdreg s5  }
0xb0: {  	[dreg:$0x4] =	wrdreg $0xC0  }
0xb1: {  	_ =	task [dreg:s7], $0x5FFFF  }
0xb2: {  	[dreg:$0x1] =	wrdreg $0xFFFFFFFF  }
0xb3: {  	[dreg:$0x0] =	wrdreg $0x60  }
0xb4: {  	[dreg:$0x2] =	wrdreg s24  }
0xb5: {  	[dreg:$0x3] =	wrdreg s16  }
0xb6: {  	[dreg:$0x4] =	wrdreg $0x9  }
0xb7: {  	_ =	task.clear_ibuf [dreg:s7], $0x5FFFF;
	_ =	strace $0x90000046  }
0xb8: {  	s29 =	simm.s32 $0x9;
	_ =	strace $0x80000048  }
0xb9: {  	_ =	swait.ge [sflag:s29], $0x1  }
0xba: {  	[sflag:s29] =	ssyncadd.s32 $0xFFFFFFFF  }
0xbb: {  	_ =	strace $0x90000048  }
0xbc: {  	_ =	sfence  }
0xbd: {  	s30 =	sld [smem:$0x0];
	_ =	sdelay $0x2  }
0xbe: {  	s31 =	sshll.u32 s1, $0xD;
	s1 =	sshrl.u32 s1, $0x2  }
0xbf: {  	s3 =	sand.u32 $0x4000, s31;
	s1 =	sadd.s32 s1, s30  }
0xc0: {  	s0 =	sor.u32 s3, s0;
	s1 =	sshll.u32 s1, $0x11  }
0xc1: {  	s0 =	sor.u32 s1, s0  }
0xc2: {  	s0 =	sadd.s32 $0x8F2B, s0  }
0xc3: {  	[sflag:s0] =	ssyncadd.remote.s32 $0x1  }
0xc4: {  	_ =	sfence.sel $0xFFFF  }
0xc5: {  	[dreg:$0x0] =	wrdreg $0xFFFFFFFF;
	(pc) =	sbr.abs _section_cstart, $3  }
0xc6: {  	[dreg:$0x1] =	wrdreg $0xFFFFFFFF  }
0xc7: {  	_ =	task.clear_ibuf [dreg:s7], $0x2FFFF;
	_ =	strace $0x9FFFFFFF  }
0xc8: {  	(tm) =	ssettm $0x7FFFFFFF  }
0xc9: {  	_ =	shalt  }
tec
execute0_lowered:
.L_overlay_start_1:
0x0: {  	(tag) =	ssettag $0x1  }
0x1: {  	s1 =	srdreg.scid  }
0x2: {  	s0 =	stileid.u32;
	s14 =	sand.u32 $0x1, s1  }
0x3: {  	s5 =	rddreg [dreg:$0x0];
	s29 =	sshll.u32 s0, $0xA;
	s2 =	sshll.u32 s14, $0x9  }
0x4: {  	s15 =	rddreg [dreg:$0x1];
	s16 =	sor.u32 s2, s29  }
0x5: {  	s1 =	rddreg [dreg:$0x2];
	s2 =	simm.s32 $0x0;
	s3 =	sshrl.u32 s16, $0x3  }
0x6: {  	[smem:$0x7FF] =	sst s2;
	s3 =	sadd.s32 s3, s5  }
0x7: {  	_ =	strace $0x80000047;
	s4 =	sadd.s32 $0x2200, s3;
	s3 =	simm.s32 $0x2  }
0x8: {  	[tilespmem:s2], [sflag:$0x2] =	stream.linear.gather [hbm4b:s4+s2], $0x200, $0x38;
	[tilespmem:$0x10200] =	vst v63  }
0x9: {  	_ =	swait.ge [sflag:s3], $0x200  }
0xa: {  	s6 =	simm.s32 $0x80;
	[sflag:s3] =	ssyncset.done $0x0  }
0xb: {  	s7 =	simm.s32 $0x200;
	s5 =	sadd.s32 $0x2A00, s5;
	[sflag:s3] =	ssyncadd.s32 $0xFFFFFE00  }
0xc: {  	[tilespmem:s7], [sflag:$0x1] =	stream.indirect.gather [hbm4b:s5+s6], $0x80, s2, s6, $0xb8;
	[tilespmem:$0x10200] =	vst v63  }
0xd: {  	s8 =	simm.s32 $0x4200  }
0xe: {  	[tilespmem:s8], [sflag:$0x1] =	stream.indirect.gather [hbm4b:s5+s6], $0x80, s6, s6, $0xb8;
	[tilespmem:$0x10200] =	vst v63  }
0xf: {  	s9 =	simm.s32 $0x100;
	s10 =	simm.s32 $0x8200  }
0x10: {  	[tilespmem:s10], [sflag:$0x1] =	stream.indirect.gather [hbm4b:s5+s6], $0x80, s9, s6, $0xb8;
	[tilespmem:$0x10200] =	vst v63  }
0x11: {  	s11 =	simm.s32 $0x180;
	s12 =	simm.s32 $0xC200;
	s13 =	simm.s32 $0x1  }
0x12: {  	[tilespmem:s12], [sflag:$0x1] =	stream.indirect.gather [hbm4b:s5+s6], $0x80, s11, s6, $0xb8;
	[tilespmem:$0x10200] =	vst v63  }
0x13: {  	_ =	swait.ge [sflag:s13], $0x4000  }
0x14: {  	[sflag:s13] =	ssyncset.done $0x0  }
0x15: {  	[sflag:s13] =	ssyncadd.s32 $0xFFFFC000  }
0x16: {  	_ =	swait.ge [sflag:s13], $0x4000  }
0x17: {  	[sflag:s13] =	ssyncset.done $0x0  }
0x18: {  	s14 =	ssub.s32 $0x2, s14;
	[sflag:s13] =	ssyncadd.s32 $0xFFFFC000  }
0x19: {  	s17 =	sshrl.u32 s14, $0x1;
	_ =	swait.ge [sflag:s13], $0x4000  }
0x1a: {  	s17 =	ssub.s32 s14, s17;
	[sflag:s13] =	ssyncset.done $0x0  }
0x1b: {  	s31 =	smax.u32 s17, $0x1;
	[sflag:s13] =	ssyncadd.s32 $0xFFFFC000  }
0x1c: {  	p0 =	sne.s32 s31, $0x1;
	_ =	swait.ge [sflag:s13], $0x4000  }
.Ltmp0:
0x1d: {  	s30 =	sshll.u32 s16, $0x4;
	[sflag:s13] =	ssyncset.done $0x0;
	(pc) =	sbr.rel @!p0 .LBB2_2-.Ltmp0, $4  }
0x1e: {  	s14 =	sadd.s32 s15, s30;
	[sflag:s13] =	ssyncadd.s32 $0xFFFFC000  }
0x1f: {  	[hbm4b:s14+s2] =	stream.linear.scatter [tilespmem:s7], [sflag:$0x2], $0x10000, $0x38;
	[tilespmem:$0x10200] =	vst v63  }
0x20: {  	_ =	swait.ge [sflag:s3], $0x10000  }
0x21: {  	s15 =	sadd.s32 $0xFFFFFFFF, s31;
	[sflag:s3] =	ssyncset.done $0x0  }
.LBB2_1:
0x22: {  	p0 =	sne.s32 s15, $0x1;
	s15 =	sadd.s32 $0xFFFFFFFF, s15;
	[sflag:s3] =	ssyncadd.s32 $0xFFFF0000  }
0x23: {  	[tilespmem:s2], [sflag:$0x2] =	stream.linear.gather [hbm4b:s4+s2], $0x200, $0x38;
	[tilespmem:$0x10200] =	vst v63  }
0x24: {  	_ =	swait.ge [sflag:s3], $0x200  }
0x25: {  	[sflag:s3] =	ssyncset.done $0x0  }
0x26: {  	[sflag:s3] =	ssyncadd.s32 $0xFFFFFE00  }
0x27: {  	[tilespmem:s7], [sflag:$0x1] =	stream.indirect.gather [hbm4b:s5+s6], $0x80, s2, s6, $0xb8;
	[tilespmem:$0x10200] =	vst v63  }
0x28: {  	_ = 	snop  }
0x29: {  	[tilespmem:s8], [sflag:$0x1] =	stream.indirect.gather [hbm4b:s5+s6], $0x80, s6, s6, $0xb8;
	[tilespmem:$0x10200] =	vst v63  }
0x2a: {  	_ = 	snop  }
0x2b: {  	[tilespmem:s10], [sflag:$0x1] =	stream.indirect.gather [hbm4b:s5+s6], $0x80, s9, s6, $0xb8;
	[tilespmem:$0x10200] =	vst v63  }
0x2c: {  	_ = 	snop  }
0x2d: {  	[tilespmem:s12], [sflag:$0x1] =	stream.indirect.gather [hbm4b:s5+s6], $0x80, s11, s6, $0xb8;
	[tilespmem:$0x10200] =	vst v63  }
0x2e: {  	_ =	swait.ge [sflag:s13], $0x4000  }
0x2f: {  	[sflag:s13] =	ssyncset.done $0x0  }
0x30: {  	[sflag:s13] =	ssyncadd.s32 $0xFFFFC000  }
0x31: {  	_ =	swait.ge [sflag:s13], $0x4000  }
0x32: {  	[sflag:s13] =	ssyncset.done $0x0  }
0x33: {  	[sflag:s13] =	ssyncadd.s32 $0xFFFFC000  }
0x34: {  	_ =	swait.ge [sflag:s13], $0x4000  }
0x35: {  	[sflag:s13] =	ssyncset.done $0x0  }
0x36: {  	[sflag:s13] =	ssyncadd.s32 $0xFFFFC000  }
0x37: {  	_ =	swait.ge [sflag:s13], $0x4000  }
.Ltmp1:
0x38: {  	[sflag:s13] =	ssyncset.done $0x0;
	(pc) =	sbr.rel @p0 .LBB2_1-.Ltmp1, $4  }
0x39: {  	[sflag:s13] =	ssyncadd.s32 $0xFFFFC000  }
0x3a: {  	[hbm4b:s14+s2] =	stream.linear.scatter [tilespmem:s7], [sflag:$0x2], $0x10000, $0x38;
	[tilespmem:$0x10200] =	vst v63  }
0x3b: {  	_ =	swait.ge [sflag:s3], $0x10000  }
0x3c: {  	[sflag:s3] =	ssyncset.done $0x0  }
.LBB2_2:
0x3d: {  	[sflag:s3] =	ssyncadd.s32 $0xFFFF0000  }
0x3e: {  	_ =	sfence.sel $0x180000  }
0x3f: {  	[bflag:$0x0] =	sbarrier.arrive $0xFFFF  }
0x40: {  	p0 =	sne.s32 s0, $0x0;
	_ =	strace $0x90000047  }
0x41: {  	s0 =	sadd.s32 @!p0 $0x100000, s1;
	[bflag:$0x2] =	sbarrier.arrive $0xFFFF  }
0x42: {  	[sflag:s0] =	ssyncadd.tile.s32 @!p0 $0x1;
	_ =	shalt  }
.Lfunc_end2:
_tile_overlayer_lowered:
.L_overlay_start_2:
0x43: {  	(tag) =	ssettag $0x2  }
0x44: {  	s0 =	rddreg [dreg:$0x0];
	s2 =	stileid.u32  }
0x45: {  	s1 =	rddreg [dreg:$0x1];
	p0 =	sne.s32 s2, $0x0  }
0x46: {  	s3 =	rddreg [dreg:$0x2];
	[bflag:$0x3] =	sbarrier.arrive $0xFFFF;
	s2 =	simm.s32 @!p0 $0x1C02  }
0x47: {  	[timem:s3], [sflag:s2] =	dma.local @!p0 [hbm:s0], s1  }
0x48: {  	s0 =	simm.s32 @!p0 $0x2  }
0x49: {  	_ =	swait.ge @!p0 [sflag:s0], s1  }
0x4a: {  	s1 =	ssub.s32 @!p0 $0x0, s1;
	[sflag:s0] =	ssyncset.done @!p0 $0x0  }
0x4b: {  	[sflag:s0] =	ssyncadd.s32 @!p0 s1  }
0x4c: {  	[bflag:$0x3] =	sbarrier.arrive $0xFFFF  }
0x4d: {  	_ =	shalt  }

</sc_bundles>
